<compile_context>
chip_gen: v7x
topology: tpu7x:2x2x1
jax: 0.10.2.dev20260603
libtpu: 0.0.44.dev20260713+nightly
codegen_flags: <defaults>
</compile_context>

<pallas_src>
import functools

import jax
import jax.numpy as jnp
from jax import lax
from jax.experimental import pallas as pl
from jax.experimental.pallas import tpu as pltpu
from jax.experimental.pallas import tpu_sc as plsc

N_NODES = 10000
N_EDGES = 160000
D_IN = 256
D_OUT = 256

NC = 2
NS = 16
DH = 128
CHUNK = 80
NBUF = 4
NIB = 8
E_PAD = 163840
E_TILE = E_PAD // NS
N_CHUNKS = E_TILE // CHUNK
N_PAD = 10240
ROWS_TILE = N_PAD // NS
WCH = 128
DEG_R = N_PAD // DH

EBLK = 4096
ROW_BLK = 400


def _sc_agg_body(featflat, srcAB, dst2, out_hbm, *scr):
    c = lax.axis_index("c")
    s = lax.axis_index("s")
    k = 0
    sidx = scr[k:k + NIB]; k += NIB
    didx = scr[k:k + NIB]; k += NIB
    rows = scr[k:k + NBUF]; k += NBUF
    agg_sh = scr[k]; k += 1
    gsem = scr[k:k + NBUF]; k += NBUF
    ssem = scr[k:k + NBUF]; k += NBUF
    isem = scr[k:k + NIB]

    def _idx_load(gg, q, sem_q):
        a = pltpu.async_copy(srcAB.at[c, s, gg], sidx[q], sem_q)
        b = pltpu.async_copy(dst2.at[s, gg], didx[q], sem_q)
        return a, b

    def _idx_wait(gg, q, sem_q):
        pltpu.make_async_copy(srcAB.at[c, s, gg], sidx[q], sem_q).wait()
        pltpu.make_async_copy(dst2.at[s, gg], didx[q], sem_q).wait()

    for g in range(3):
        _idx_load(g, g, isem[g])

    zero16 = jnp.zeros((16,), jnp.float32)

    def _zrow(r, carry):
        for j in range(DH // 16):
            rows[0][r, pl.ds(j * 16, 16)] = zero16
        return carry
    lax.fori_loop(0, CHUNK, _zrow, 0)
    slab0 = s * ROWS_TILE
    for kk in range(ROWS_TILE // CHUNK):
        pltpu.sync_copy(rows[0], agg_sh.at[pl.ds(slab0 + kk * CHUNK, CHUNK)])

    for g in range(2):
        _idx_wait(g, g, isem[g])
        pltpu.async_copy(featflat.at[sidx[g]], rows[g], gsem[g])
    plsc.subcore_barrier()

    def _outer(t, carry):
        for u in range(NIB):
            g = t * NIB + u
            b = u % NBUF
            pltpu.make_async_copy(
                featflat.at[sidx[u]], rows[b], gsem[b]).wait()
            pltpu.async_copy(rows[b], agg_sh.at[didx[u]], ssem[b], add=True)

            bd = (b + NBUF - 2) % NBUF
            ud = (u + NIB - 2) % NIB

            @pl.when(g >= 2)
            def _drain():
                pltpu.make_async_copy(
                    rows[bd], agg_sh.at[didx[ud]], ssem[bd]).wait()

            bn = (b + 2) % NBUF
            un = (u + 2) % NIB

            @pl.when(g + 2 < N_CHUNKS)
            def _pref_gather():
                _idx_wait(g + 2, un, isem[un])
                pltpu.async_copy(featflat.at[sidx[un]], rows[bn], gsem[bn])

            ui = (u + 3) % NIB

            @pl.when(g + 3 < N_CHUNKS)
            def _pref_idx():
                _idx_load(g + 3, ui, isem[ui])
        return carry
    lax.fori_loop(0, N_CHUNKS // NIB, _outer, 0)

    for gg in (N_CHUNKS - 2, N_CHUNKS - 1):
        b = gg % NBUF
        u = gg % NIB
        pltpu.make_async_copy(rows[b], agg_sh.at[didx[u]], ssem[b]).wait()
    plsc.subcore_barrier()

    for kk in range(ROWS_TILE // WCH):
        r0 = slab0 + kk * WCH
        pltpu.sync_copy(agg_sh.at[pl.ds(r0, WCH)],
                        out_hbm.at[c, pl.ds(r0, WCH)])


_sc_agg = functools.partial(
    pl.kernel,
    out_type=jax.ShapeDtypeStruct((NC, N_PAD, DH), jnp.float32),
    mesh=plsc.VectorSubcoreMesh(core_axis_name="c", subcore_axis_name="s"),
    scratch_types=(
        [pltpu.VMEM((CHUNK,), jnp.int32)] * (2 * NIB)
        + [pltpu.VMEM((CHUNK, DH), jnp.float32)] * NBUF
        + [pltpu.VMEM_SHARED((N_PAD, DH), jnp.float32)]
        + [pltpu.SemaphoreType.DMA] * (2 * NBUF + NIB)
    ),
)(_sc_agg_body)


def _deg_body(dst_ref, out_ref):
    i = pl.program_id(0)
    d = dst_ref[0, 0, :][:, None]
    dhi = lax.shift_right_logical(d, 7)
    dlo = lax.bitwise_and(d, DH - 1)
    ohh = (dhi == lax.broadcasted_iota(jnp.int32, (1, DEG_R), 1))
    ohl = (dlo == lax.broadcasted_iota(jnp.int32, (1, DH), 1))
    prod = lax.dot_general(ohh.astype(jnp.float32), ohl.astype(jnp.float32),
                           (((0,), (0,)), ((), ())),
                           preferred_element_type=jnp.float32)

    @pl.when(i == 0)
    def _init():
        out_ref[...] = jnp.zeros_like(out_ref)
    out_ref[...] += prod


def _deg_stage(dst_pad):
    grid = (E_PAD // EBLK,)
    return pl.pallas_call(
        _deg_body,
        grid=grid,
        in_specs=[pl.BlockSpec((1, 1, EBLK), lambda i: (i, 0, 0))],
        out_specs=pl.BlockSpec((DEG_R, DH), lambda i: (0, 0)),
        out_shape=jax.ShapeDtypeStruct((DEG_R, DH), jnp.float32),
    )(dst_pad.reshape(E_PAD // EBLK, 1, EBLK))


def _dense_body(aggA_ref, aggB_ref, deg_ref, feat_ref, w_ref, out_ref):
    deg = deg_ref[...]
    inv_deg = jnp.where(deg == 0.0, 1.0, 1.0 / deg)
    dn = (((1,), (1,)), ((), ()))
    h = lax.dot_general(aggA_ref[0] * inv_deg, w_ref[:, :DH], dn,
                        preferred_element_type=jnp.float32)
    h += lax.dot_general(aggB_ref[0] * inv_deg, w_ref[:, DH:D_IN], dn,
                         preferred_element_type=jnp.float32)
    h += lax.dot_general(feat_ref[...], w_ref[:, D_IN:], dn,
                         preferred_element_type=jnp.float32)
    h = jnp.maximum(h, 0.0)
    norm = jnp.maximum(jnp.sqrt(jnp.sum(h * h, axis=1, keepdims=True)), 1e-12)
    out_ref[...] = h / norm


def _dense_stage(agg2, deg, feat, W):
    grid = (N_NODES // ROW_BLK,)
    return pl.pallas_call(
        _dense_body,
        grid=grid,
        in_specs=[
            pl.BlockSpec((1, ROW_BLK, DH), lambda i: (0, i, 0)),
            pl.BlockSpec((1, ROW_BLK, DH), lambda i: (1, i, 0)),
            pl.BlockSpec((ROW_BLK, 1), lambda i: (i, 0)),
            pl.BlockSpec((ROW_BLK, D_IN), lambda i: (i, 0)),
            pl.BlockSpec((D_OUT, 2 * D_IN), lambda i: (0, 0)),
        ],
        out_specs=pl.BlockSpec((ROW_BLK, D_OUT), lambda i: (i, 0)),
        out_shape=jax.ShapeDtypeStruct((N_NODES, D_OUT), jnp.float32),
    )(agg2, agg2, deg, feat, W)


def kernel(feat, edge, W):
    src = edge[0]
    dst = edge[1]
    npad = E_PAD - N_EDGES
    src_pad = jnp.concatenate([src, jnp.zeros((npad,), jnp.int32)])
    dst_pad = jnp.concatenate([dst, jnp.full((npad,), N_NODES, jnp.int32)])
    srcAB = jnp.stack([src_pad, src_pad + N_NODES]).reshape(
        NC, NS, N_CHUNKS, CHUNK)
    dst2 = dst_pad.reshape(NS, N_CHUNKS, CHUNK)
    featflat = jnp.concatenate([feat[:, :DH], feat[:, DH:]], axis=0)
    deg = _deg_stage(dst_pad).reshape(N_PAD, 1)
    agg2 = _sc_agg(featflat, srcAB, dst2)
    return _dense_stage(agg2, deg, feat, W)

# --- scband reference (transcript-rebuilt; emitter-appended) ---
"""Pipeline reference for scband-graph-sage-layer-82867099009052 (READ-ONLY COPY).

The authoritative reference and input builder live on the scoring server;
editing this copy changes nothing except your own understanding.
"""

import jax, jax.numpy as jnp
import numpy as np

N_NODES = 10000
N_EDGES = 160000
D_IN = 256
D_OUT = 256


def setup_inputs(seed: int = 0) -> dict:
    key = jax.random.key(seed)
    k1, k2, k3 = jax.random.split(key, 3)
    feat = jax.random.normal(k1, (N_NODES, D_IN), dtype=jnp.float32)
    edge = jax.random.randint(k2, (2, N_EDGES), 0, N_NODES, dtype=jnp.int32)
    # nn.Linear(2*dim_in, dim_out, bias=False) -> weight shape [dim_out, 2*dim_in]
    W = jax.random.normal(k3, (D_OUT, 2 * D_IN), dtype=jnp.float32) * 0.04
    return {"feat": feat, "edge": edge, "W": W}


def reference(feat, edge, W):
    # agg_type == 'mean' branch of GraphSageLayer.forward
    src = edge[0]
    dst = edge[1]
    feat_h = jnp.take(feat, src, axis=0)                      # gather source features
    agg_neighbor = jnp.zeros((feat.shape[0], feat.shape[1]), dtype=jnp.float32)
    agg_neighbor = agg_neighbor.at[dst].add(feat_h)           # index_add_ scatter-add
    degree = jnp.bincount(dst, length=feat.shape[0]).astype(jnp.float32)[:, None]
    inv_degree = jnp.where(degree == 0.0, 1.0, 1.0 / degree)
    feat_agg = agg_neighbor * inv_degree
    h = jnp.concatenate([feat_agg, feat], axis=1) @ W.T       # Linear, no bias
    h = jax.nn.relu(h)
    # F.normalize(h, p=2, dim=-1) with eps=1e-12
    norm = jnp.maximum(jnp.linalg.norm(h, ord=2, axis=-1, keepdims=True), 1e-12)
    return h / norm

if __name__ == "__main__":
    import jax
    _d = setup_inputs()
    print(jax.jit(kernel)(*tuple(_d.values())))

</pallas_src>

<mosaic_0001>
#map = affine_map<(d0, d1) -> (0, 0)>
#map1 = affine_map<(d0, d1) -> (0, 0, 0, 0)>
#map2 = affine_map<(d0, d1) -> (0, 0, 0)>
module attributes {stable_mosaic.version = 14 : i64} {
  func.func @_sc_agg_body(%arg0: i32, %arg1: i32, %arg2: memref<20000x128xf32, #tpu.memory_space<hbm>>, %arg3: memref<2x16x128x80xi32, #tpu.memory_space<hbm>>, %arg4: memref<16x128x80xi32, #tpu.memory_space<hbm>>, %arg5: memref<2x10240x128xf32, #tpu.memory_space<hbm>>, %arg6: memref<80xi32, #tpu.memory_space<vmem>>, %arg7: memref<80xi32, #tpu.memory_space<vmem>>, %arg8: memref<80xi32, #tpu.memory_space<vmem>>, %arg9: memref<80xi32, #tpu.memory_space<vmem>>, %arg10: memref<80xi32, #tpu.memory_space<vmem>>, %arg11: memref<80xi32, #tpu.memory_space<vmem>>, %arg12: memref<80xi32, #tpu.memory_space<vmem>>, %arg13: memref<80xi32, #tpu.memory_space<vmem>>, %arg14: memref<80xi32, #tpu.memory_space<vmem>>, %arg15: memref<80xi32, #tpu.memory_space<vmem>>, %arg16: memref<80xi32, #tpu.memory_space<vmem>>, %arg17: memref<80xi32, #tpu.memory_space<vmem>>, %arg18: memref<80xi32, #tpu.memory_space<vmem>>, %arg19: memref<80xi32, #tpu.memory_space<vmem>>, %arg20: memref<80xi32, #tpu.memory_space<vmem>>, %arg21: memref<80xi32, #tpu.memory_space<vmem>>, %arg22: memref<80x128xf32, #tpu.memory_space<vmem>>, %arg23: memref<80x128xf32, #tpu.memory_space<vmem>>, %arg24: memref<80x128xf32, #tpu.memory_space<vmem>>, %arg25: memref<80x128xf32, #tpu.memory_space<vmem>>, %arg26: memref<10240x128xf32, #tpu.memory_space<vmem_shared>>, %arg27: memref<!tpu.dma_semaphore, #tpu.memory_space<semaphore_mem>>, %arg28: memref<!tpu.dma_semaphore, #tpu.memory_space<semaphore_mem>>, %arg29: memref<!tpu.dma_semaphore, #tpu.memory_space<semaphore_mem>>, %arg30: memref<!tpu.dma_semaphore, #tpu.memory_space<semaphore_mem>>, %arg31: memref<!tpu.dma_semaphore, #tpu.memory_space<semaphore_mem>>, %arg32: memref<!tpu.dma_semaphore, #tpu.memory_space<semaphore_mem>>, %arg33: memref<!tpu.dma_semaphore, #tpu.memory_space<semaphore_mem>>, %arg34: memref<!tpu.dma_semaphore, #tpu.memory_space<semaphore_mem>>, %arg35: memref<!tpu.dma_semaphore, #tpu.memory_space<semaphore_mem>>, %arg36: memref<!tpu.dma_semaphore, #tpu.memory_space<semaphore_mem>>, %arg37: memref<!tpu.dma_semaphore, #tpu.memory_space<semaphore_mem>>, %arg38: memref<!tpu.dma_semaphore, #tpu.memory_space<semaphore_mem>>, %arg39: memref<!tpu.dma_semaphore, #tpu.memory_space<semaphore_mem>>, %arg40: memref<!tpu.dma_semaphore, #tpu.memory_space<semaphore_mem>>, %arg41: memref<!tpu.dma_semaphore, #tpu.memory_space<semaphore_mem>>, %arg42: memref<!tpu.dma_semaphore, #tpu.memory_space<semaphore_mem>>) attributes {dimension_semantics = [#tpu.dimension_semantics<core_parallel>, #tpu.dimension_semantics<subcore_parallel>], iteration_bounds = array<i64: 2, 16>, scalar_prefetch = 0 : i64, scratch_operands = 37 : i64, tpu.core_type = #tpu.core_type<sc_vector_subcore>, window_params = [{transform_indices = #map}, {transform_indices = #map1}, {transform_indices = #map2}, {transform_indices = #map2}]} {
    %dma_start3A = arith.constant 0 : i32
    %dma_start3A_0 = arith.constant 0 : i32
    %dma_start3A_1 = tpu.memref_slice %arg3[%arg0, %arg1, %dma_start3A, %dma_start3A_0] : memref<2x16x128x80xi32, #tpu.memory_space<hbm>> -> memref<1x1x1x80xi32, #tpu.memory_space<hbm>>
    %dma_start3A_2 = tpu.memref_squeeze %dma_start3A_1 : memref<1x1x1x80xi32, #tpu.memory_space<hbm>> -> memref<80xi32, #tpu.memory_space<hbm>>
    %dma_start3A_3 = arith.constant 0 : i32
    %dma_start3A_4 = tpu.memref_slice %arg3[%arg0, %arg1, %dma_start3A, %dma_start3A_3] : memref<2x16x128x80xi32, #tpu.memory_space<hbm>> -> memref<1x1x1x80xi32, #tpu.memory_space<hbm>>
    %dma_start3A_5 = tpu.memref_squeeze %dma_start3A_4 : memref<1x1x1x80xi32, #tpu.memory_space<hbm>> -> memref<80xi32, #tpu.memory_space<hbm>>
    tpu.enqueue_dma source(%dma_start3A_5 : memref<80xi32, #tpu.memory_space<hbm>>) target(%arg6 : memref<80xi32, #tpu.memory_space<vmem>>) target_semaphore(%arg35 : memref<!tpu.dma_semaphore, #tpu.memory_space<semaphore_mem>>)
    %dma_start3A_6 = arith.constant 0 : i32
    %dma_start3A_7 = arith.constant 0 : i32
    %dma_start3A_8 = tpu.memref_slice %arg4[%arg1, %dma_start3A_6, %dma_start3A_7] : memref<16x128x80xi32, #tpu.memory_space<hbm>> -> memref<1x1x80xi32, #tpu.memory_space<hbm>>
    %dma_start3A_9 = tpu.memref_squeeze %dma_start3A_8 : memref<1x1x80xi32, #tpu.memory_space<hbm>> -> memref<80xi32, #tpu.memory_space<hbm>>
    %dma_start3A_10 = arith.constant 0 : i32
    %dma_start3A_11 = tpu.memref_slice %arg4[%arg1, %dma_start3A_6, %dma_start3A_10] : memref<16x128x80xi32, #tpu.memory_space<hbm>> -> memref<1x1x80xi32, #tpu.memory_space<hbm>>
    %dma_start3A_12 = tpu.memref_squeeze %dma_start3A_11 : memref<1x1x80xi32, #tpu.memory_space<hbm>> -> memref<80xi32, #tpu.memory_space<hbm>>
    tpu.enqueue_dma source(%dma_start3A_12 : memref<80xi32, #tpu.memory_space<hbm>>) target(%arg14 : memref<80xi32, #tpu.memory_space<vmem>>) target_semaphore(%arg35 : memref<!tpu.dma_semaphore, #tpu.memory_space<semaphore_mem>>)
    %dma_start3A_13 = arith.constant 1 : i32
    %dma_start3A_14 = arith.constant 0 : i32
    %dma_start3A_15 = tpu.memref_slice %arg3[%arg0, %arg1, %dma_start3A_13, %dma_start3A_14] : memref<2x16x128x80xi32, #tpu.memory_space<hbm>> -> memref<1x1x1x80xi32, #tpu.memory_space<hbm>>
    %dma_start3A_16 = tpu.memref_squeeze %dma_start3A_15 : memref<1x1x1x80xi32, #tpu.memory_space<hbm>> -> memref<80xi32, #tpu.memory_space<hbm>>
    %dma_start3A_17 = arith.constant 0 : i32
    %dma_start3A_18 = tpu.memref_slice %arg3[%arg0, %arg1, %dma_start3A_13, %dma_start3A_17] : memref<2x16x128x80xi32, #tpu.memory_space<hbm>> -> memref<1x1x1x80xi32, #tpu.memory_space<hbm>>
    %dma_start3A_19 = tpu.memref_squeeze %dma_start3A_18 : memref<1x1x1x80xi32, #tpu.memory_space<hbm>> -> memref<80xi32, #tpu.memory_space<hbm>>
    tpu.enqueue_dma source(%dma_start3A_19 : memref<80xi32, #tpu.memory_space<hbm>>) target(%arg7 : memref<80xi32, #tpu.memory_space<vmem>>) target_semaphore(%arg36 : memref<!tpu.dma_semaphore, #tpu.memory_space<semaphore_mem>>)
    %dma_start3A_20 = arith.constant 1 : i32
    %dma_start3A_21 = arith.constant 0 : i32
    %dma_start3A_22 = tpu.memref_slice %arg4[%arg1, %dma_start3A_20, %dma_start3A_21] : memref<16x128x80xi32, #tpu.memory_space<hbm>> -> memref<1x1x80xi32, #tpu.memory_space<hbm>>
    %dma_start3A_23 = tpu.memref_squeeze %dma_start3A_22 : memref<1x1x80xi32, #tpu.memory_space<hbm>> -> memref<80xi32, #tpu.memory_space<hbm>>
    %dma_start3A_24 = arith.constant 0 : i32
    %dma_start3A_25 = tpu.memref_slice %arg4[%arg1, %dma_start3A_20, %dma_start3A_24] : memref<16x128x80xi32, #tpu.memory_space<hbm>> -> memref<1x1x80xi32, #tpu.memory_space<hbm>>
    %dma_start3A_26 = tpu.memref_squeeze %dma_start3A_25 : memref<1x1x80xi32, #tpu.memory_space<hbm>> -> memref<80xi32, #tpu.memory_space<hbm>>
    tpu.enqueue_dma source(%dma_start3A_26 : memref<80xi32, #tpu.memory_space<hbm>>) target(%arg15 : memref<80xi32, #tpu.memory_space<vmem>>) target_semaphore(%arg36 : memref<!tpu.dma_semaphore, #tpu.memory_space<semaphore_mem>>)
    %dma_start3A_27 = arith.constant 2 : i32
    %dma_start3A_28 = arith.constant 0 : i32
    %dma_start3A_29 = tpu.memref_slice %arg3[%arg0, %arg1, %dma_start3A_27, %dma_start3A_28] : memref<2x16x128x80xi32, #tpu.memory_space<hbm>> -> memref<1x1x1x80xi32, #tpu.memory_space<hbm>>
    %dma_start3A_30 = tpu.memref_squeeze %dma_start3A_29 : memref<1x1x1x80xi32, #tpu.memory_space<hbm>> -> memref<80xi32, #tpu.memory_space<hbm>>
    %dma_start3A_31 = arith.constant 0 : i32
    %dma_start3A_32 = tpu.memref_slice %arg3[%arg0, %arg1, %dma_start3A_27, %dma_start3A_31] : memref<2x16x128x80xi32, #tpu.memory_space<hbm>> -> memref<1x1x1x80xi32, #tpu.memory_space<hbm>>
    %dma_start3A_33 = tpu.memref_squeeze %dma_start3A_32 : memref<1x1x1x80xi32, #tpu.memory_space<hbm>> -> memref<80xi32, #tpu.memory_space<hbm>>
    tpu.enqueue_dma source(%dma_start3A_33 : memref<80xi32, #tpu.memory_space<hbm>>) target(%arg8 : memref<80xi32, #tpu.memory_space<vmem>>) target_semaphore(%arg37 : memref<!tpu.dma_semaphore, #tpu.memory_space<semaphore_mem>>)
    %dma_start3A_34 = arith.constant 2 : i32
    %dma_start3A_35 = arith.constant 0 : i32
    %dma_start3A_36 = tpu.memref_slice %arg4[%arg1, %dma_start3A_34, %dma_start3A_35] : memref<16x128x80xi32, #tpu.memory_space<hbm>> -> memref<1x1x80xi32, #tpu.memory_space<hbm>>
    %dma_start3A_37 = tpu.memref_squeeze %dma_start3A_36 : memref<1x1x80xi32, #tpu.memory_space<hbm>> -> memref<80xi32, #tpu.memory_space<hbm>>
    %dma_start3A_38 = arith.constant 0 : i32
    %dma_start3A_39 = tpu.memref_slice %arg4[%arg1, %dma_start3A_34, %dma_start3A_38] : memref<16x128x80xi32, #tpu.memory_space<hbm>> -> memref<1x1x80xi32, #tpu.memory_space<hbm>>
    %dma_start3A_40 = tpu.memref_squeeze %dma_start3A_39 : memref<1x1x80xi32, #tpu.memory_space<hbm>> -> memref<80xi32, #tpu.memory_space<hbm>>
    tpu.enqueue_dma source(%dma_start3A_40 : memref<80xi32, #tpu.memory_space<hbm>>) target(%arg16 : memref<80xi32, #tpu.memory_space<vmem>>) target_semaphore(%arg37 : memref<!tpu.dma_semaphore, #tpu.memory_space<semaphore_mem>>)
    %broadcast_in_dim3A = arith.constant 0.000000e+00 : f32
    %broadcast_in_dim3A_41 = vector.broadcast %broadcast_in_dim3A : f32 to vector<16xf32>
    %scan3A = arith.constant 0 : i32
    %scan3A_42 = arith.constant 0 : i32
    %scan3A_43 = arith.constant 80 : i32
    %scan3A_44 = arith.addi %scan3A_42, %scan3A_43 : i32
    %scan3A_45 = arith.constant 1 : i32
    scf.for %scan3A_119 = %scan3A_42 to %scan3A_44 step %scan3A_45  : i32 {
      %swap3A = arith.index_cast %scan3A_119 : i32 to index
      %swap3A_120 = arith.constant 0 : index
      %swap3A_121 = tpu.vector_load %arg22[%swap3A, %swap3A_120] {strides = array<i32>} : memref<80x128xf32, #tpu.memory_space<vmem>>, vector<1x16xf32>,
      %swap3A_122 = vector.shape_cast %swap3A_121 : vector<1x16xf32> to vector<16xf32>
      %swap3A_123 = vector.shape_cast %broadcast_in_dim3A_41 : vector<16xf32> to vector<1x16xf32>
      tpu.vector_store %arg22[%swap3A, %swap3A_120], %swap3A_123 {strides = array<i32>} : memref<80x128xf32, #tpu.memory_space<vmem>>, vector<1x16xf32>,
      %swap3A_124 = arith.index_cast %scan3A_119 : i32 to index
      %swap3A_125 = arith.constant 16 : index
      %swap3A_126 = tpu.vector_load %arg22[%swap3A_124, %swap3A_125] {strides = array<i32>} : memref<80x128xf32, #tpu.memory_space<vmem>>, vector<1x16xf32>,
      %swap3A_127 = vector.shape_cast %swap3A_126 : vector<1x16xf32> to vector<16xf32>
      %swap3A_128 = vector.shape_cast %broadcast_in_dim3A_41 : vector<16xf32> to vector<1x16xf32>
      tpu.vector_store %arg22[%swap3A_124, %swap3A_125], %swap3A_128 {strides = array<i32>} : memref<80x128xf32, #tpu.memory_space<vmem>>, vector<1x16xf32>,
      %swap3A_129 = arith.index_cast %scan3A_119 : i32 to index
      %swap3A_130 = arith.constant 32 : index
      %swap3A_131 = tpu.vector_load %arg22[%swap3A_129, %swap3A_130] {strides = array<i32>} : memref<80x128xf32, #tpu.memory_space<vmem>>, vector<1x16xf32>,
      %swap3A_132 = vector.shape_cast %swap3A_131 : vector<1x16xf32> to vector<16xf32>
      %swap3A_133 = vector.shape_cast %broadcast_in_dim3A_41 : vector<16xf32> to vector<1x16xf32>
      tpu.vector_store %arg22[%swap3A_129, %swap3A_130], %swap3A_133 {strides = array<i32>} : memref<80x128xf32, #tpu.memory_space<vmem>>, vector<1x16xf32>,
      %swap3A_134 = arith.index_cast %scan3A_119 : i32 to index
      %swap3A_135 = arith.constant 48 : index
      %swap3A_136 = tpu.vector_load %arg22[%swap3A_134, %swap3A_135] {strides = array<i32>} : memref<80x128xf32, #tpu.memory_space<vmem>>, vector<1x16xf32>,
      %swap3A_137 = vector.shape_cast %swap3A_136 : vector<1x16xf32> to vector<16xf32>
      %swap3A_138 = vector.shape_cast %broadcast_in_dim3A_41 : vector<16xf32> to vector<1x16xf32>
      tpu.vector_store %arg22[%swap3A_134, %swap3A_135], %swap3A_138 {strides = array<i32>} : memref<80x128xf32, #tpu.memory_space<vmem>>, vector<1x16xf32>,
      %swap3A_139 = arith.index_cast %scan3A_119 : i32 to index
      %swap3A_140 = arith.constant 64 : index
      %swap3A_141 = tpu.vector_load %arg22[%swap3A_139, %swap3A_140] {strides = array<i32>} : memref<80x128xf32, #tpu.memory_space<vmem>>, vector<1x16xf32>,
      %swap3A_142 = vector.shape_cast %swap3A_141 : vector<1x16xf32> to vector<16xf32>
      %swap3A_143 = vector.shape_cast %broadcast_in_dim3A_41 : vector<16xf32> to vector<1x16xf32>
      tpu.vector_store %arg22[%swap3A_139, %swap3A_140], %swap3A_143 {strides = array<i32>} : memref<80x128xf32, #tpu.memory_space<vmem>>, vector<1x16xf32>,
      %swap3A_144 = arith.index_cast %scan3A_119 : i32 to index
      %swap3A_145 = arith.constant 80 : index
      %swap3A_146 = tpu.vector_load %arg22[%swap3A_144, %swap3A_145] {strides = array<i32>} : memref<80x128xf32, #tpu.memory_space<vmem>>, vector<1x16xf32>,
      %swap3A_147 = vector.shape_cast %swap3A_146 : vector<1x16xf32> to vector<16xf32>
      %swap3A_148 = vector.shape_cast %broadcast_in_dim3A_41 : vector<16xf32> to vector<1x16xf32>
      tpu.vector_store %arg22[%swap3A_144, %swap3A_145], %swap3A_148 {strides = array<i32>} : memref<80x128xf32, #tpu.memory_space<vmem>>, vector<1x16xf32>,
      %swap3A_149 = arith.index_cast %scan3A_119 : i32 to index
      %swap3A_150 = arith.constant 96 : index
      %swap3A_151 = tpu.vector_load %arg22[%swap3A_149, %swap3A_150] {strides = array<i32>} : memref<80x128xf32, #tpu.memory_space<vmem>>, vector<1x16xf32>,
      %swap3A_152 = vector.shape_cast %swap3A_151 : vector<1x16xf32> to vector<16xf32>
      %swap3A_153 = vector.shape_cast %broadcast_in_dim3A_41 : vector<16xf32> to vector<1x16xf32>
      tpu.vector_store %arg22[%swap3A_149, %swap3A_150], %swap3A_153 {strides = array<i32>} : memref<80x128xf32, #tpu.memory_space<vmem>>, vector<1x16xf32>,
      %swap3A_154 = arith.index_cast %scan3A_119 : i32 to index
      %swap3A_155 = arith.constant 112 : index
      %swap3A_156 = tpu.vector_load %arg22[%swap3A_154, %swap3A_155] {strides = array<i32>} : memref<80x128xf32, #tpu.memory_space<vmem>>, vector<1x16xf32>,
      %swap3A_157 = vector.shape_cast %swap3A_156 : vector<1x16xf32> to vector<16xf32>
      %swap3A_158 = vector.shape_cast %broadcast_in_dim3A_41 : vector<16xf32> to vector<1x16xf32>
      tpu.vector_store %arg22[%swap3A_154, %swap3A_155], %swap3A_158 {strides = array<i32>} : memref<80x128xf32, #tpu.memory_space<vmem>>, vector<1x16xf32>,
    }
    %scan3A_46 = arith.constant 80 : i32
    %mul3A = arith.constant 640 : i32
    %mul3A_47 = arith.muli %arg1, %mul3A : i32
    %add3A = arith.constant 0 : i32
    %add3A_48 = arith.addi %mul3A_47, %add3A : i32
    "tpu.region"() ({
      %run_scoped3A = tpu.sem_alloc : memref<!tpu.dma_semaphore, #tpu.memory_space<semaphore_mem>>
      %dma_start3A_119 = arith.constant 0 : i32
      %dma_start3A_120 = tpu.memref_slice %arg26[%add3A_48, %dma_start3A_119] : memref<10240x128xf32, #tpu.memory_space<vmem_shared>> -> memref<80x128xf32, #tpu.memory_space<vmem_shared>>
      %dma_start3A_121 = arith.constant 0 : i32
      %dma_start3A_122 = tpu.memref_slice %arg26[%add3A_48, %dma_start3A_121] : memref<10240x128xf32, #tpu.memory_space<vmem_shared>> -> memref<80x128xf32, #tpu.memory_space<vmem_shared>>
      tpu.enqueue_dma source(%arg22 : memref<80x128xf32, #tpu.memory_space<vmem>>) target(%dma_start3A_122 : memref<80x128xf32, #tpu.memory_space<vmem_shared>>) target_semaphore(%run_scoped3A : memref<!tpu.dma_semaphore, #tpu.memory_space<semaphore_mem>>)
      %dma_wait3A_123 = arith.constant 0 : i32
      %dma_wait3A_124 = tpu.memref_slice %arg26[%add3A_48, %dma_wait3A_123] : memref<10240x128xf32, #tpu.memory_space<vmem_shared>> -> memref<80x128xf32, #tpu.memory_space<vmem_shared>>
      %dma_wait3A_125 = arith.constant 0 : i32
      %dma_wait3A_126 = tpu.memref_slice %arg26[%add3A_48, %dma_wait3A_125] : memref<10240x128xf32, #tpu.memory_space<vmem_shared>> -> memref<80x128xf32, #tpu.memory_space<vmem_shared>>
      tpu.wait_dma2 semaphore(%run_scoped3A : memref<!tpu.dma_semaphore, #tpu.memory_space<semaphore_mem>>) src(%arg22 : memref<80x128xf32, #tpu.memory_space<vmem>>) dst(%dma_wait3A_126 : memref<80x128xf32, #tpu.memory_space<vmem_shared>>)
      tpu.yield
    }) : () -> ()
    %add3A_49 = arith.constant 80 : i32
    %add3A_50 = arith.addi %mul3A_47, %add3A_49 : i32
    "tpu.region"() ({
      %run_scoped3A = tpu.sem_alloc : memref<!tpu.dma_semaphore, #tpu.memory_space<semaphore_mem>>
      %dma_start3A_119 = arith.constant 0 : i32
      %dma_start3A_120 = tpu.memref_slice %arg26[%add3A_50, %dma_start3A_119] : memref<10240x128xf32, #tpu.memory_space<vmem_shared>> -> memref<80x128xf32, #tpu.memory_space<vmem_shared>>
      %dma_start3A_121 = arith.constant 0 : i32
      %dma_start3A_122 = tpu.memref_slice %arg26[%add3A_50, %dma_start3A_121] : memref<10240x128xf32, #tpu.memory_space<vmem_shared>> -> memref<80x128xf32, #tpu.memory_space<vmem_shared>>
      tpu.enqueue_dma source(%arg22 : memref<80x128xf32, #tpu.memory_space<vmem>>) target(%dma_start3A_122 : memref<80x128xf32, #tpu.memory_space<vmem_shared>>) target_semaphore(%run_scoped3A : memref<!tpu.dma_semaphore, #tpu.memory_space<semaphore_mem>>)
      %dma_wait3A_123 = arith.constant 0 : i32
      %dma_wait3A_124 = tpu.memref_slice %arg26[%add3A_50, %dma_wait3A_123] : memref<10240x128xf32, #tpu.memory_space<vmem_shared>> -> memref<80x128xf32, #tpu.memory_space<vmem_shared>>
      %dma_wait3A_125 = arith.constant 0 : i32
      %dma_wait3A_126 = tpu.memref_slice %arg26[%add3A_50, %dma_wait3A_125] : memref<10240x128xf32, #tpu.memory_space<vmem_shared>> -> memref<80x128xf32, #tpu.memory_space<vmem_shared>>
      tpu.wait_dma2 semaphore(%run_scoped3A : memref<!tpu.dma_semaphore, #tpu.memory_space<semaphore_mem>>) src(%arg22 : memref<80x128xf32, #tpu.memory_space<vmem>>) dst(%dma_wait3A_126 : memref<80x128xf32, #tpu.memory_space<vmem_shared>>)
      tpu.yield
    }) : () -> ()
    %add3A_51 = arith.constant 160 : i32
    %add3A_52 = arith.addi %mul3A_47, %add3A_51 : i32
    "tpu.region"() ({
      %run_scoped3A = tpu.sem_alloc : memref<!tpu.dma_semaphore, #tpu.memory_space<semaphore_mem>>
      %dma_start3A_119 = arith.constant 0 : i32
      %dma_start3A_120 = tpu.memref_slice %arg26[%add3A_52, %dma_start3A_119] : memref<10240x128xf32, #tpu.memory_space<vmem_shared>> -> memref<80x128xf32, #tpu.memory_space<vmem_shared>>
      %dma_start3A_121 = arith.constant 0 : i32
      %dma_start3A_122 = tpu.memref_slice %arg26[%add3A_52, %dma_start3A_121] : memref<10240x128xf32, #tpu.memory_space<vmem_shared>> -> memref<80x128xf32, #tpu.memory_space<vmem_shared>>
      tpu.enqueue_dma source(%arg22 : memref<80x128xf32, #tpu.memory_space<vmem>>) target(%dma_start3A_122 : memref<80x128xf32, #tpu.memory_space<vmem_shared>>) target_semaphore(%run_scoped3A : memref<!tpu.dma_semaphore, #tpu.memory_space<semaphore_mem>>)
      %dma_wait3A_123 = arith.constant 0 : i32
      %dma_wait3A_124 = tpu.memref_slice %arg26[%add3A_52, %dma_wait3A_123] : memref<10240x128xf32, #tpu.memory_space<vmem_shared>> -> memref<80x128xf32, #tpu.memory_space<vmem_shared>>
      %dma_wait3A_125 = arith.constant 0 : i32
      %dma_wait3A_126 = tpu.memref_slice %arg26[%add3A_52, %dma_wait3A_125] : memref<10240x128xf32, #tpu.memory_space<vmem_shared>> -> memref<80x128xf32, #tpu.memory_space<vmem_shared>>
      tpu.wait_dma2 semaphore(%run_scoped3A : memref<!tpu.dma_semaphore, #tpu.memory_space<semaphore_mem>>) src(%arg22 : memref<80x128xf32, #tpu.memory_space<vmem>>) dst(%dma_wait3A_126 : memref<80x128xf32, #tpu.memory_space<vmem_shared>>)
      tpu.yield
    }) : () -> ()
    %add3A_53 = arith.constant 240 : i32
    %add3A_54 = arith.addi %mul3A_47, %add3A_53 : i32
    "tpu.region"() ({
      %run_scoped3A = tpu.sem_alloc : memref<!tpu.dma_semaphore, #tpu.memory_space<semaphore_mem>>
      %dma_start3A_119 = arith.constant 0 : i32
      %dma_start3A_120 = tpu.memref_slice %arg26[%add3A_54, %dma_start3A_119] : memref<10240x128xf32, #tpu.memory_space<vmem_shared>> -> memref<80x128xf32, #tpu.memory_space<vmem_shared>>
      %dma_start3A_121 = arith.constant 0 : i32
      %dma_start3A_122 = tpu.memref_slice %arg26[%add3A_54, %dma_start3A_121] : memref<10240x128xf32, #tpu.memory_space<vmem_shared>> -> memref<80x128xf32, #tpu.memory_space<vmem_shared>>
      tpu.enqueue_dma source(%arg22 : memref<80x128xf32, #tpu.memory_space<vmem>>) target(%dma_start3A_122 : memref<80x128xf32, #tpu.memory_space<vmem_shared>>) target_semaphore(%run_scoped3A : memref<!tpu.dma_semaphore, #tpu.memory_space<semaphore_mem>>)
      %dma_wait3A_123 = arith.constant 0 : i32
      %dma_wait3A_124 = tpu.memref_slice %arg26[%add3A_54, %dma_wait3A_123] : memref<10240x128xf32, #tpu.memory_space<vmem_shared>> -> memref<80x128xf32, #tpu.memory_space<vmem_shared>>
      %dma_wait3A_125 = arith.constant 0 : i32
      %dma_wait3A_126 = tpu.memref_slice %arg26[%add3A_54, %dma_wait3A_125] : memref<10240x128xf32, #tpu.memory_space<vmem_shared>> -> memref<80x128xf32, #tpu.memory_space<vmem_shared>>
      tpu.wait_dma2 semaphore(%run_scoped3A : memref<!tpu.dma_semaphore, #tpu.memory_space<semaphore_mem>>) src(%arg22 : memref<80x128xf32, #tpu.memory_space<vmem>>) dst(%dma_wait3A_126 : memref<80x128xf32, #tpu.memory_space<vmem_shared>>)
      tpu.yield
    }) : () -> ()
    %add3A_55 = arith.constant 320 : i32
    %add3A_56 = arith.addi %mul3A_47, %add3A_55 : i32
    "tpu.region"() ({
      %run_scoped3A = tpu.sem_alloc : memref<!tpu.dma_semaphore, #tpu.memory_space<semaphore_mem>>
      %dma_start3A_119 = arith.constant 0 : i32
      %dma_start3A_120 = tpu.memref_slice %arg26[%add3A_56, %dma_start3A_119] : memref<10240x128xf32, #tpu.memory_space<vmem_shared>> -> memref<80x128xf32, #tpu.memory_space<vmem_shared>>
      %dma_start3A_121 = arith.constant 0 : i32
      %dma_start3A_122 = tpu.memref_slice %arg26[%add3A_56, %dma_start3A_121] : memref<10240x128xf32, #tpu.memory_space<vmem_shared>> -> memref<80x128xf32, #tpu.memory_space<vmem_shared>>
      tpu.enqueue_dma source(%arg22 : memref<80x128xf32, #tpu.memory_space<vmem>>) target(%dma_start3A_122 : memref<80x128xf32, #tpu.memory_space<vmem_shared>>) target_semaphore(%run_scoped3A : memref<!tpu.dma_semaphore, #tpu.memory_space<semaphore_mem>>)
      %dma_wait3A_123 = arith.constant 0 : i32
      %dma_wait3A_124 = tpu.memref_slice %arg26[%add3A_56, %dma_wait3A_123] : memref<10240x128xf32, #tpu.memory_space<vmem_shared>> -> memref<80x128xf32, #tpu.memory_space<vmem_shared>>
      %dma_wait3A_125 = arith.constant 0 : i32
      %dma_wait3A_126 = tpu.memref_slice %arg26[%add3A_56, %dma_wait3A_125] : memref<10240x128xf32, #tpu.memory_space<vmem_shared>> -> memref<80x128xf32, #tpu.memory_space<vmem_shared>>
      tpu.wait_dma2 semaphore(%run_scoped3A : memref<!tpu.dma_semaphore, #tpu.memory_space<semaphore_mem>>) src(%arg22 : memref<80x128xf32, #tpu.memory_space<vmem>>) dst(%dma_wait3A_126 : memref<80x128xf32, #tpu.memory_space<vmem_shared>>)
      tpu.yield
    }) : () -> ()
    %add3A_57 = arith.constant 400 : i32
    %add3A_58 = arith.addi %mul3A_47, %add3A_57 : i32
    "tpu.region"() ({
      %run_scoped3A = tpu.sem_alloc : memref<!tpu.dma_semaphore, #tpu.memory_space<semaphore_mem>>
      %dma_start3A_119 = arith.constant 0 : i32
      %dma_start3A_120 = tpu.memref_slice %arg26[%add3A_58, %dma_start3A_119] : memref<10240x128xf32, #tpu.memory_space<vmem_shared>> -> memref<80x128xf32, #tpu.memory_space<vmem_shared>>
      %dma_start3A_121 = arith.constant 0 : i32
      %dma_start3A_122 = tpu.memref_slice %arg26[%add3A_58, %dma_start3A_121] : memref<10240x128xf32, #tpu.memory_space<vmem_shared>> -> memref<80x128xf32, #tpu.memory_space<vmem_shared>>
      tpu.enqueue_dma source(%arg22 : memref<80x128xf32, #tpu.memory_space<vmem>>) target(%dma_start3A_122 : memref<80x128xf32, #tpu.memory_space<vmem_shared>>) target_semaphore(%run_scoped3A : memref<!tpu.dma_semaphore, #tpu.memory_space<semaphore_mem>>)
      %dma_wait3A_123 = arith.constant 0 : i32
      %dma_wait3A_124 = tpu.memref_slice %arg26[%add3A_58, %dma_wait3A_123] : memref<10240x128xf32, #tpu.memory_space<vmem_shared>> -> memref<80x128xf32, #tpu.memory_space<vmem_shared>>
      %dma_wait3A_125 = arith.constant 0 : i32
      %dma_wait3A_126 = tpu.memref_slice %arg26[%add3A_58, %dma_wait3A_125] : memref<10240x128xf32, #tpu.memory_space<vmem_shared>> -> memref<80x128xf32, #tpu.memory_space<vmem_shared>>
      tpu.wait_dma2 semaphore(%run_scoped3A : memref<!tpu.dma_semaphore, #tpu.memory_space<semaphore_mem>>) src(%arg22 : memref<80x128xf32, #tpu.memory_space<vmem>>) dst(%dma_wait3A_126 : memref<80x128xf32, #tpu.memory_space<vmem_shared>>)
      tpu.yield
    }) : () -> ()
    %add3A_59 = arith.constant 480 : i32
    %add3A_60 = arith.addi %mul3A_47, %add3A_59 : i32
    "tpu.region"() ({
      %run_scoped3A = tpu.sem_alloc : memref<!tpu.dma_semaphore, #tpu.memory_space<semaphore_mem>>
      %dma_start3A_119 = arith.constant 0 : i32
      %dma_start3A_120 = tpu.memref_slice %arg26[%add3A_60, %dma_start3A_119] : memref<10240x128xf32, #tpu.memory_space<vmem_shared>> -> memref<80x128xf32, #tpu.memory_space<vmem_shared>>
      %dma_start3A_121 = arith.constant 0 : i32
      %dma_start3A_122 = tpu.memref_slice %arg26[%add3A_60, %dma_start3A_121] : memref<10240x128xf32, #tpu.memory_space<vmem_shared>> -> memref<80x128xf32, #tpu.memory_space<vmem_shared>>
      tpu.enqueue_dma source(%arg22 : memref<80x128xf32, #tpu.memory_space<vmem>>) target(%dma_start3A_122 : memref<80x128xf32, #tpu.memory_space<vmem_shared>>) target_semaphore(%run_scoped3A : memref<!tpu.dma_semaphore, #tpu.memory_space<semaphore_mem>>)
      %dma_wait3A_123 = arith.constant 0 : i32
      %dma_wait3A_124 = tpu.memref_slice %arg26[%add3A_60, %dma_wait3A_123] : memref<10240x128xf32, #tpu.memory_space<vmem_shared>> -> memref<80x128xf32, #tpu.memory_space<vmem_shared>>
      %dma_wait3A_125 = arith.constant 0 : i32
      %dma_wait3A_126 = tpu.memref_slice %arg26[%add3A_60, %dma_wait3A_125] : memref<10240x128xf32, #tpu.memory_space<vmem_shared>> -> memref<80x128xf32, #tpu.memory_space<vmem_shared>>
      tpu.wait_dma2 semaphore(%run_scoped3A : memref<!tpu.dma_semaphore, #tpu.memory_space<semaphore_mem>>) src(%arg22 : memref<80x128xf32, #tpu.memory_space<vmem>>) dst(%dma_wait3A_126 : memref<80x128xf32, #tpu.memory_space<vmem_shared>>)
      tpu.yield
    }) : () -> ()
    %add3A_61 = arith.constant 560 : i32
    %add3A_62 = arith.addi %mul3A_47, %add3A_61 : i32
    "tpu.region"() ({
      %run_scoped3A = tpu.sem_alloc : memref<!tpu.dma_semaphore, #tpu.memory_space<semaphore_mem>>
      %dma_start3A_119 = arith.constant 0 : i32
      %dma_start3A_120 = tpu.memref_slice %arg26[%add3A_62, %dma_start3A_119] : memref<10240x128xf32, #tpu.memory_space<vmem_shared>> -> memref<80x128xf32, #tpu.memory_space<vmem_shared>>
      %dma_start3A_121 = arith.constant 0 : i32
      %dma_start3A_122 = tpu.memref_slice %arg26[%add3A_62, %dma_start3A_121] : memref<10240x128xf32, #tpu.memory_space<vmem_shared>> -> memref<80x128xf32, #tpu.memory_space<vmem_shared>>
      tpu.enqueue_dma source(%arg22 : memref<80x128xf32, #tpu.memory_space<vmem>>) target(%dma_start3A_122 : memref<80x128xf32, #tpu.memory_space<vmem_shared>>) target_semaphore(%run_scoped3A : memref<!tpu.dma_semaphore, #tpu.memory_space<semaphore_mem>>)
      %dma_wait3A_123 = arith.constant 0 : i32
      %dma_wait3A_124 = tpu.memref_slice %arg26[%add3A_62, %dma_wait3A_123] : memref<10240x128xf32, #tpu.memory_space<vmem_shared>> -> memref<80x128xf32, #tpu.memory_space<vmem_shared>>
      %dma_wait3A_125 = arith.constant 0 : i32
      %dma_wait3A_126 = tpu.memref_slice %arg26[%add3A_62, %dma_wait3A_125] : memref<10240x128xf32, #tpu.memory_space<vmem_shared>> -> memref<80x128xf32, #tpu.memory_space<vmem_shared>>
      tpu.wait_dma2 semaphore(%run_scoped3A : memref<!tpu.dma_semaphore, #tpu.memory_space<semaphore_mem>>) src(%arg22 : memref<80x128xf32, #tpu.memory_space<vmem>>) dst(%dma_wait3A_126 : memref<80x128xf32, #tpu.memory_space<vmem_shared>>)
      tpu.yield
    }) : () -> ()
    %dma_wait3A = arith.constant 0 : i32
    %dma_wait3A_63 = arith.constant 0 : i32
    %dma_wait3A_64 = tpu.memref_slice %arg3[%arg0, %arg1, %dma_wait3A, %dma_wait3A_63] : memref<2x16x128x80xi32, #tpu.memory_space<hbm>> -> memref<1x1x1x80xi32, #tpu.memory_space<hbm>>
    %dma_wait3A_65 = tpu.memref_squeeze %dma_wait3A_64 : memref<1x1x1x80xi32, #tpu.memory_space<hbm>> -> memref<80xi32, #tpu.memory_space<hbm>>
    %dma_wait3A_66 = arith.constant 0 : i32
    %dma_wait3A_67 = tpu.memref_slice %arg3[%arg0, %arg1, %dma_wait3A, %dma_wait3A_66] : memref<2x16x128x80xi32, #tpu.memory_space<hbm>> -> memref<1x1x1x80xi32, #tpu.memory_space<hbm>>
    %dma_wait3A_68 = tpu.memref_squeeze %dma_wait3A_67 : memref<1x1x1x80xi32, #tpu.memory_space<hbm>> -> memref<80xi32, #tpu.memory_space<hbm>>
    tpu.wait_dma2 semaphore(%arg35 : memref<!tpu.dma_semaphore, #tpu.memory_space<semaphore_mem>>) src(%dma_wait3A_68 : memref<80xi32, #tpu.memory_space<hbm>>) dst(%arg6 : memref<80xi32, #tpu.memory_space<vmem>>)
    %dma_wait3A_69 = arith.constant 0 : i32
    %dma_wait3A_70 = arith.constant 0 : i32
    %dma_wait3A_71 = tpu.memref_slice %arg4[%arg1, %dma_wait3A_69, %dma_wait3A_70] : memref<16x128x80xi32, #tpu.memory_space<hbm>> -> memref<1x1x80xi32, #tpu.memory_space<hbm>>
    %dma_wait3A_72 = tpu.memref_squeeze %dma_wait3A_71 : memref<1x1x80xi32, #tpu.memory_space<hbm>> -> memref<80xi32, #tpu.memory_space<hbm>>
    %dma_wait3A_73 = arith.constant 0 : i32
    %dma_wait3A_74 = tpu.memref_slice %arg4[%arg1, %dma_wait3A_69, %dma_wait3A_73] : memref<16x128x80xi32, #tpu.memory_space<hbm>> -> memref<1x1x80xi32, #tpu.memory_space<hbm>>
    %dma_wait3A_75 = tpu.memref_squeeze %dma_wait3A_74 : memref<1x1x80xi32, #tpu.memory_space<hbm>> -> memref<80xi32, #tpu.memory_space<hbm>>
    tpu.wait_dma2 semaphore(%arg35 : memref<!tpu.dma_semaphore, #tpu.memory_space<semaphore_mem>>) src(%dma_wait3A_75 : memref<80xi32, #tpu.memory_space<hbm>>) dst(%arg14 : memref<80xi32, #tpu.memory_space<vmem>>)
    %dma_start3A_76 = arith.constant 0 : i32
    %dma_start3A_77 = arith.constant 0 : i32
    %dma_start3A_78 = tpu.memref_slice %arg2[%dma_start3A_76, %dma_start3A_77] : memref<20000x128xf32, #tpu.memory_space<hbm>> -> memref<20000x128xf32, #tpu.memory_space<hbm>>
    tpu.enqueue_indirect_dma source(%dma_start3A_78 : memref<20000x128xf32, #tpu.memory_space<hbm>>) target(%arg22 : memref<80x128xf32, #tpu.memory_space<vmem>>) offsets(%arg6 : memref<80xi32, #tpu.memory_space<vmem>>) semaphore(%arg27 : memref<!tpu.dma_semaphore, #tpu.memory_space<semaphore_mem>>)
    %dma_wait3A_79 = arith.constant 1 : i32
    %dma_wait3A_80 = arith.constant 0 : i32
    %dma_wait3A_81 = tpu.memref_slice %arg3[%arg0, %arg1, %dma_wait3A_79, %dma_wait3A_80] : memref<2x16x128x80xi32, #tpu.memory_space<hbm>> -> memref<1x1x1x80xi32, #tpu.memory_space<hbm>>
    %dma_wait3A_82 = tpu.memref_squeeze %dma_wait3A_81 : memref<1x1x1x80xi32, #tpu.memory_space<hbm>> -> memref<80xi32, #tpu.memory_space<hbm>>
    %dma_wait3A_83 = arith.constant 0 : i32
    %dma_wait3A_84 = tpu.memref_slice %arg3[%arg0, %arg1, %dma_wait3A_79, %dma_wait3A_83] : memref<2x16x128x80xi32, #tpu.memory_space<hbm>> -> memref<1x1x1x80xi32, #tpu.memory_space<hbm>>
    %dma_wait3A_85 = tpu.memref_squeeze %dma_wait3A_84 : memref<1x1x1x80xi32, #tpu.memory_space<hbm>> -> memref<80xi32, #tpu.memory_space<hbm>>
    tpu.wait_dma2 semaphore(%arg36 : memref<!tpu.dma_semaphore, #tpu.memory_space<semaphore_mem>>) src(%dma_wait3A_85 : memref<80xi32, #tpu.memory_space<hbm>>) dst(%arg7 : memref<80xi32, #tpu.memory_space<vmem>>)
    %dma_wait3A_86 = arith.constant 1 : i32
    %dma_wait3A_87 = arith.constant 0 : i32
    %dma_wait3A_88 = tpu.memref_slice %arg4[%arg1, %dma_wait3A_86, %dma_wait3A_87] : memref<16x128x80xi32, #tpu.memory_space<hbm>> -> memref<1x1x80xi32, #tpu.memory_space<hbm>>
    %dma_wait3A_89 = tpu.memref_squeeze %dma_wait3A_88 : memref<1x1x80xi32, #tpu.memory_space<hbm>> -> memref<80xi32, #tpu.memory_space<hbm>>
    %dma_wait3A_90 = arith.constant 0 : i32
    %dma_wait3A_91 = tpu.memref_slice %arg4[%arg1, %dma_wait3A_86, %dma_wait3A_90] : memref<16x128x80xi32, #tpu.memory_space<hbm>> -> memref<1x1x80xi32, #tpu.memory_space<hbm>>
    %dma_wait3A_92 = tpu.memref_squeeze %dma_wait3A_91 : memref<1x1x80xi32, #tpu.memory_space<hbm>> -> memref<80xi32, #tpu.memory_space<hbm>>
    tpu.wait_dma2 semaphore(%arg36 : memref<!tpu.dma_semaphore, #tpu.memory_space<semaphore_mem>>) src(%dma_wait3A_92 : memref<80xi32, #tpu.memory_space<hbm>>) dst(%arg15 : memref<80xi32, #tpu.memory_space<vmem>>)
    %dma_start3A_93 = arith.constant 0 : i32
    %dma_start3A_94 = arith.constant 0 : i32
    %dma_start3A_95 = tpu.memref_slice %arg2[%dma_start3A_93, %dma_start3A_94] : memref<20000x128xf32, #tpu.memory_space<hbm>> -> memref<20000x128xf32, #tpu.memory_space<hbm>>
    tpu.enqueue_indirect_dma source(%dma_start3A_95 : memref<20000x128xf32, #tpu.memory_space<hbm>>) target(%arg23 : memref<80x128xf32, #tpu.memory_space<vmem>>) offsets(%arg7 : memref<80xi32, #tpu.memory_space<vmem>>) semaphore(%arg28 : memref<!tpu.dma_semaphore, #tpu.memory_space<semaphore_mem>>)
    %barrier3A = arith.constant 0 : index
    tpu.barrier barrier_id(%barrier3A)
    %scan3A_96 = arith.constant 0 : i32
    %scan3A_97 = arith.constant 0 : i32
    %scan3A_98 = arith.constant 16 : i32
    %scan3A_99 = arith.addi %scan3A_97, %scan3A_98 : i32
    %scan3A_100 = arith.constant 1 : i32
    scf.for %scan3A_119 = %scan3A_97 to %scan3A_99 step %scan3A_100  : i32 {
      %mul3A_120 = arith.constant 8 : i32
      %mul3A_121 = arith.muli %scan3A_119, %mul3A_120 : i32
      %add3A_122 = arith.constant 0 : i32
      %add3A_123 = arith.addi %mul3A_121, %add3A_122 : i32
      %dma_wait3A_124 = arith.constant 0 : i32
      %dma_wait3A_125 = arith.constant 0 : i32
      %dma_wait3A_126 = tpu.memref_slice %arg2[%dma_wait3A_124, %dma_wait3A_125] : memref<20000x128xf32, #tpu.memory_space<hbm>> -> memref<20000x128xf32, #tpu.memory_space<hbm>>
      tpu.wait_indirect_dma semaphore(%arg27 : memref<!tpu.dma_semaphore, #tpu.memory_space<semaphore_mem>>) src(%dma_wait3A_126 : memref<20000x128xf32, #tpu.memory_space<hbm>>) dst(%arg22 : memref<80x128xf32, #tpu.memory_space<vmem>>)
      %dma_start3A_127 = arith.constant 0 : i32
      %dma_start3A_128 = arith.constant 0 : i32
      %dma_start3A_129 = tpu.memref_slice %arg26[%dma_start3A_127, %dma_start3A_128] : memref<10240x128xf32, #tpu.memory_space<vmem_shared>> -> memref<10240x128xf32, #tpu.memory_space<vmem_shared>>
      tpu.enqueue_indirect_dma source(%arg22 : memref<80x128xf32, #tpu.memory_space<vmem>>) target(%dma_start3A_129 : memref<10240x128xf32, #tpu.memory_space<vmem_shared>>) offsets(%arg14 : memref<80xi32, #tpu.memory_space<vmem>>) semaphore(%arg31 : memref<!tpu.dma_semaphore, #tpu.memory_space<semaphore_mem>>) {add = true}
      %ge3A = arith.constant 2 : i32
      %ge3A_130 = arith.cmpi sge, %add3A_123, %ge3A : i32
      %convert_element_type3A = arith.extui %ge3A_130 : i1 to i32
      %cond3A = arith.constant 0 : i32
      %cond3A_131 = arith.cmpi ne, %convert_element_type3A, %cond3A : i32
      scf.if %cond3A_131 {
        %dma_wait3A_348 = arith.constant 0 : i32
        %dma_wait3A_349 = arith.constant 0 : i32
        %dma_wait3A_350 = tpu.memref_slice %arg26[%dma_wait3A_348, %dma_wait3A_349] : memref<10240x128xf32, #tpu.memory_space<vmem_shared>> -> memref<10240x128xf32, #tpu.memory_space<vmem_shared>>
        tpu.wait_indirect_dma semaphore(%arg33 : memref<!tpu.dma_semaphore, #tpu.memory_space<semaphore_mem>>) src(%arg24 : memref<80x128xf32, #tpu.memory_space<vmem>>) dst(%dma_wait3A_350 : memref<10240x128xf32, #tpu.memory_space<vmem_shared>>)
      } else {
      }
      %add3A_132 = arith.constant 2 : i32
      %add3A_133 = arith.addi %add3A_123, %add3A_132 : i32
      %lt3A = arith.constant 128 : i32
      %lt3A_134 = arith.cmpi slt, %add3A_133, %lt3A : i32
      %convert_element_type3A_135 = arith.extui %lt3A_134 : i1 to i32
      %cond3A_136 = arith.constant 0 : i32
      %cond3A_137 = arith.cmpi ne, %convert_element_type3A_135, %cond3A_136 : i32
      scf.if %cond3A_137 {
        %add3A_348 = arith.constant 2 : i32
        %add3A_349 = arith.addi %add3A_123, %add3A_348 : i32
        %dma_wait3A_350 = arith.constant 0 : i32
        %dma_wait3A_351 = tpu.memref_slice %arg3[%arg0, %arg1, %add3A_349, %dma_wait3A_350] : memref<2x16x128x80xi32, #tpu.memory_space<hbm>> -> memref<1x1x1x80xi32, #tpu.memory_space<hbm>>
        %dma_wait3A_352 = tpu.memref_squeeze %dma_wait3A_351 : memref<1x1x1x80xi32, #tpu.memory_space<hbm>> -> memref<80xi32, #tpu.memory_space<hbm>>
        %dma_wait3A_353 = arith.constant 0 : i32
        %dma_wait3A_354 = tpu.memref_slice %arg3[%arg0, %arg1, %add3A_349, %dma_wait3A_353] : memref<2x16x128x80xi32, #tpu.memory_space<hbm>> -> memref<1x1x1x80xi32, #tpu.memory_space<hbm>>
        %dma_wait3A_355 = tpu.memref_squeeze %dma_wait3A_354 : memref<1x1x1x80xi32, #tpu.memory_space<hbm>> -> memref<80xi32, #tpu.memory_space<hbm>>
        tpu.wait_dma2 semaphore(%arg37 : memref<!tpu.dma_semaphore, #tpu.memory_space<semaphore_mem>>) src(%dma_wait3A_355 : memref<80xi32, #tpu.memory_space<hbm>>) dst(%arg8 : memref<80xi32, #tpu.memory_space<vmem>>)
        %dma_wait3A_356 = arith.constant 0 : i32
        %dma_wait3A_357 = tpu.memref_slice %arg4[%arg1, %add3A_349, %dma_wait3A_356] : memref<16x128x80xi32, #tpu.memory_space<hbm>> -> memref<1x1x80xi32, #tpu.memory_space<hbm>>
        %dma_wait3A_358 = tpu.memref_squeeze %dma_wait3A_357 : memref<1x1x80xi32, #tpu.memory_space<hbm>> -> memref<80xi32, #tpu.memory_space<hbm>>
        %dma_wait3A_359 = arith.constant 0 : i32
        %dma_wait3A_360 = tpu.memref_slice %arg4[%arg1, %add3A_349, %dma_wait3A_359] : memref<16x128x80xi32, #tpu.memory_space<hbm>> -> memref<1x1x80xi32, #tpu.memory_space<hbm>>
        %dma_wait3A_361 = tpu.memref_squeeze %dma_wait3A_360 : memref<1x1x80xi32, #tpu.memory_space<hbm>> -> memref<80xi32, #tpu.memory_space<hbm>>
        tpu.wait_dma2 semaphore(%arg37 : memref<!tpu.dma_semaphore, #tpu.memory_space<semaphore_mem>>) src(%dma_wait3A_361 : memref<80xi32, #tpu.memory_space<hbm>>) dst(%arg16 : memref<80xi32, #tpu.memory_space<vmem>>)
        %dma_start3A_362 = arith.constant 0 : i32
        %dma_start3A_363 = arith.constant 0 : i32
        %dma_start3A_364 = tpu.memref_slice %arg2[%dma_start3A_362, %dma_start3A_363] : memref<20000x128xf32, #tpu.memory_space<hbm>> -> memref<20000x128xf32, #tpu.memory_space<hbm>>
        tpu.enqueue_indirect_dma source(%dma_start3A_364 : memref<20000x128xf32, #tpu.memory_space<hbm>>) target(%arg24 : memref<80x128xf32, #tpu.memory_space<vmem>>) offsets(%arg8 : memref<80xi32, #tpu.memory_space<vmem>>) semaphore(%arg29 : memref<!tpu.dma_semaphore, #tpu.memory_space<semaphore_mem>>)
      } else {
      }
      %add3A_138 = arith.constant 3 : i32
      %add3A_139 = arith.addi %add3A_123, %add3A_138 : i32
      %lt3A_140 = arith.constant 128 : i32
      %lt3A_141 = arith.cmpi slt, %add3A_139, %lt3A_140 : i32
      %convert_element_type3A_142 = arith.extui %lt3A_141 : i1 to i32
      %cond3A_143 = arith.constant 0 : i32
      %cond3A_144 = arith.cmpi ne, %convert_element_type3A_142, %cond3A_143 : i32
      scf.if %cond3A_144 {
        %add3A_348 = arith.constant 3 : i32
        %add3A_349 = arith.addi %add3A_123, %add3A_348 : i32
        %dma_start3A_350 = arith.constant 0 : i32
        %dma_start3A_351 = tpu.memref_slice %arg3[%arg0, %arg1, %add3A_349, %dma_start3A_350] : memref<2x16x128x80xi32, #tpu.memory_space<hbm>> -> memref<1x1x1x80xi32, #tpu.memory_space<hbm>>
        %dma_start3A_352 = tpu.memref_squeeze %dma_start3A_351 : memref<1x1x1x80xi32, #tpu.memory_space<hbm>> -> memref<80xi32, #tpu.memory_space<hbm>>
        %dma_start3A_353 = arith.constant 0 : i32
        %dma_start3A_354 = tpu.memref_slice %arg3[%arg0, %arg1, %add3A_349, %dma_start3A_353] : memref<2x16x128x80xi32, #tpu.memory_space<hbm>> -> memref<1x1x1x80xi32, #tpu.memory_space<hbm>>
        %dma_start3A_355 = tpu.memref_squeeze %dma_start3A_354 : memref<1x1x1x80xi32, #tpu.memory_space<hbm>> -> memref<80xi32, #tpu.memory_space<hbm>>
        tpu.enqueue_dma source(%dma_start3A_355 : memref<80xi32, #tpu.memory_space<hbm>>) target(%arg9 : memref<80xi32, #tpu.memory_space<vmem>>) target_semaphore(%arg38 : memref<!tpu.dma_semaphore, #tpu.memory_space<semaphore_mem>>)
        %dma_start3A_356 = arith.constant 0 : i32
        %dma_start3A_357 = tpu.memref_slice %arg4[%arg1, %add3A_349, %dma_start3A_356] : memref<16x128x80xi32, #tpu.memory_space<hbm>> -> memref<1x1x80xi32, #tpu.memory_space<hbm>>
        %dma_start3A_358 = tpu.memref_squeeze %dma_start3A_357 : memref<1x1x80xi32, #tpu.memory_space<hbm>> -> memref<80xi32, #tpu.memory_space<hbm>>
        %dma_start3A_359 = arith.constant 0 : i32
        %dma_start3A_360 = tpu.memref_slice %arg4[%arg1, %add3A_349, %dma_start3A_359] : memref<16x128x80xi32, #tpu.memory_space<hbm>> -> memref<1x1x80xi32, #tpu.memory_space<hbm>>
        %dma_start3A_361 = tpu.memref_squeeze %dma_start3A_360 : memref<1x1x80xi32, #tpu.memory_space<hbm>> -> memref<80xi32, #tpu.memory_space<hbm>>
        tpu.enqueue_dma source(%dma_start3A_361 : memref<80xi32, #tpu.memory_space<hbm>>) target(%arg17 : memref<80xi32, #tpu.memory_space<vmem>>) target_semaphore(%arg38 : memref<!tpu.dma_semaphore, #tpu.memory_space<semaphore_mem>>)
      } else {
      }
      %mul3A_145 = arith.constant 8 : i32
      %mul3A_146 = arith.muli %scan3A_119, %mul3A_145 : i32
      %add3A_147 = arith.constant 1 : i32
      %add3A_148 = arith.addi %mul3A_146, %add3A_147 : i32
      %dma_wait3A_149 = arith.constant 0 : i32
      %dma_wait3A_150 = arith.constant 0 : i32
      %dma_wait3A_151 = tpu.memref_slice %arg2[%dma_wait3A_149, %dma_wait3A_150] : memref<20000x128xf32, #tpu.memory_space<hbm>> -> memref<20000x128xf32, #tpu.memory_space<hbm>>
      tpu.wait_indirect_dma semaphore(%arg28 : memref<!tpu.dma_semaphore, #tpu.memory_space<semaphore_mem>>) src(%dma_wait3A_151 : memref<20000x128xf32, #tpu.memory_space<hbm>>) dst(%arg23 : memref<80x128xf32, #tpu.memory_space<vmem>>)
      %dma_start3A_152 = arith.constant 0 : i32
      %dma_start3A_153 = arith.constant 0 : i32
      %dma_start3A_154 = tpu.memref_slice %arg26[%dma_start3A_152, %dma_start3A_153] : memref<10240x128xf32, #tpu.memory_space<vmem_shared>> -> memref<10240x128xf32, #tpu.memory_space<vmem_shared>>
      tpu.enqueue_indirect_dma source(%arg23 : memref<80x128xf32, #tpu.memory_space<vmem>>) target(%dma_start3A_154 : memref<10240x128xf32, #tpu.memory_space<vmem_shared>>) offsets(%arg15 : memref<80xi32, #tpu.memory_space<vmem>>) semaphore(%arg32 : memref<!tpu.dma_semaphore, #tpu.memory_space<semaphore_mem>>) {add = true}
      %ge3A_155 = arith.constant 2 : i32
      %ge3A_156 = arith.cmpi sge, %add3A_148, %ge3A_155 : i32
      %convert_element_type3A_157 = arith.extui %ge3A_156 : i1 to i32
      %cond3A_158 = arith.constant 0 : i32
      %cond3A_159 = arith.cmpi ne, %convert_element_type3A_157, %cond3A_158 : i32
      scf.if %cond3A_159 {
        %dma_wait3A_348 = arith.constant 0 : i32
        %dma_wait3A_349 = arith.constant 0 : i32
        %dma_wait3A_350 = tpu.memref_slice %arg26[%dma_wait3A_348, %dma_wait3A_349] : memref<10240x128xf32, #tpu.memory_space<vmem_shared>> -> memref<10240x128xf32, #tpu.memory_space<vmem_shared>>
        tpu.wait_indirect_dma semaphore(%arg34 : memref<!tpu.dma_semaphore, #tpu.memory_space<semaphore_mem>>) src(%arg25 : memref<80x128xf32, #tpu.memory_space<vmem>>) dst(%dma_wait3A_350 : memref<10240x128xf32, #tpu.memory_space<vmem_shared>>)
      } else {
      }
      %add3A_160 = arith.constant 2 : i32
      %add3A_161 = arith.addi %add3A_148, %add3A_160 : i32
      %lt3A_162 = arith.constant 128 : i32
      %lt3A_163 = arith.cmpi slt, %add3A_161, %lt3A_162 : i32
      %convert_element_type3A_164 = arith.extui %lt3A_163 : i1 to i32
      %cond3A_165 = arith.constant 0 : i32
      %cond3A_166 = arith.cmpi ne, %convert_element_type3A_164, %cond3A_165 : i32
      scf.if %cond3A_166 {
        %add3A_348 = arith.constant 2 : i32
        %add3A_349 = arith.addi %add3A_148, %add3A_348 : i32
        %dma_wait3A_350 = arith.constant 0 : i32
        %dma_wait3A_351 = tpu.memref_slice %arg3[%arg0, %arg1, %add3A_349, %dma_wait3A_350] : memref<2x16x128x80xi32, #tpu.memory_space<hbm>> -> memref<1x1x1x80xi32, #tpu.memory_space<hbm>>
        %dma_wait3A_352 = tpu.memref_squeeze %dma_wait3A_351 : memref<1x1x1x80xi32, #tpu.memory_space<hbm>> -> memref<80xi32, #tpu.memory_space<hbm>>
        %dma_wait3A_353 = arith.constant 0 : i32
        %dma_wait3A_354 = tpu.memref_slice %arg3[%arg0, %arg1, %add3A_349, %dma_wait3A_353] : memref<2x16x128x80xi32, #tpu.memory_space<hbm>> -> memref<1x1x1x80xi32, #tpu.memory_space<hbm>>
        %dma_wait3A_355 = tpu.memref_squeeze %dma_wait3A_354 : memref<1x1x1x80xi32, #tpu.memory_space<hbm>> -> memref<80xi32, #tpu.memory_space<hbm>>
        tpu.wait_dma2 semaphore(%arg38 : memref<!tpu.dma_semaphore, #tpu.memory_space<semaphore_mem>>) src(%dma_wait3A_355 : memref<80xi32, #tpu.memory_space<hbm>>) dst(%arg9 : memref<80xi32, #tpu.memory_space<vmem>>)
        %dma_wait3A_356 = arith.constant 0 : i32
        %dma_wait3A_357 = tpu.memref_slice %arg4[%arg1, %add3A_349, %dma_wait3A_356] : memref<16x128x80xi32, #tpu.memory_space<hbm>> -> memref<1x1x80xi32, #tpu.memory_space<hbm>>
        %dma_wait3A_358 = tpu.memref_squeeze %dma_wait3A_357 : memref<1x1x80xi32, #tpu.memory_space<hbm>> -> memref<80xi32, #tpu.memory_space<hbm>>
        %dma_wait3A_359 = arith.constant 0 : i32
        %dma_wait3A_360 = tpu.memref_slice %arg4[%arg1, %add3A_349, %dma_wait3A_359] : memref<16x128x80xi32, #tpu.memory_space<hbm>> -> memref<1x1x80xi32, #tpu.memory_space<hbm>>
        %dma_wait3A_361 = tpu.memref_squeeze %dma_wait3A_360 : memref<1x1x80xi32, #tpu.memory_space<hbm>> -> memref<80xi32, #tpu.memory_space<hbm>>
        tpu.wait_dma2 semaphore(%arg38 : memref<!tpu.dma_semaphore, #tpu.memory_space<semaphore_mem>>) src(%dma_wait3A_361 : memref<80xi32, #tpu.memory_space<hbm>>) dst(%arg17 : memref<80xi32, #tpu.memory_space<vmem>>)
        %dma_start3A_362 = arith.constant 0 : i32
        %dma_start3A_363 = arith.constant 0 : i32
        %dma_start3A_364 = tpu.memref_slice %arg2[%dma_start3A_362, %dma_start3A_363] : memref<20000x128xf32, #tpu.memory_space<hbm>> -> memref<20000x128xf32, #tpu.memory_space<hbm>>
        tpu.enqueue_indirect_dma source(%dma_start3A_364 : memref<20000x128xf32, #tpu.memory_space<hbm>>) target(%arg25 : memref<80x128xf32, #tpu.memory_space<vmem>>) offsets(%arg9 : memref<80xi32, #tpu.memory_space<vmem>>) semaphore(%arg30 : memref<!tpu.dma_semaphore, #tpu.memory_space<semaphore_mem>>)
      } else {
      }
      %add3A_167 = arith.constant 3 : i32
      %add3A_168 = arith.addi %add3A_148, %add3A_167 : i32
      %lt3A_169 = arith.constant 128 : i32
      %lt3A_170 = arith.cmpi slt, %add3A_168, %lt3A_169 : i32
      %convert_element_type3A_171 = arith.extui %lt3A_170 : i1 to i32
      %cond3A_172 = arith.constant 0 : i32
      %cond3A_173 = arith.cmpi ne, %convert_element_type3A_171, %cond3A_172 : i32
      scf.if %cond3A_173 {
        %add3A_348 = arith.constant 3 : i32
        %add3A_349 = arith.addi %add3A_148, %add3A_348 : i32
        %dma_start3A_350 = arith.constant 0 : i32
        %dma_start3A_351 = tpu.memref_slice %arg3[%arg0, %arg1, %add3A_349, %dma_start3A_350] : memref<2x16x128x80xi32, #tpu.memory_space<hbm>> -> memref<1x1x1x80xi32, #tpu.memory_space<hbm>>
        %dma_start3A_352 = tpu.memref_squeeze %dma_start3A_351 : memref<1x1x1x80xi32, #tpu.memory_space<hbm>> -> memref<80xi32, #tpu.memory_space<hbm>>
        %dma_start3A_353 = arith.constant 0 : i32
        %dma_start3A_354 = tpu.memref_slice %arg3[%arg0, %arg1, %add3A_349, %dma_start3A_353] : memref<2x16x128x80xi32, #tpu.memory_space<hbm>> -> memref<1x1x1x80xi32, #tpu.memory_space<hbm>>
        %dma_start3A_355 = tpu.memref_squeeze %dma_start3A_354 : memref<1x1x1x80xi32, #tpu.memory_space<hbm>> -> memref<80xi32, #tpu.memory_space<hbm>>
        tpu.enqueue_dma source(%dma_start3A_355 : memref<80xi32, #tpu.memory_space<hbm>>) target(%arg10 : memref<80xi32, #tpu.memory_space<vmem>>) target_semaphore(%arg39 : memref<!tpu.dma_semaphore, #tpu.memory_space<semaphore_mem>>)
        %dma_start3A_356 = arith.constant 0 : i32
        %dma_start3A_357 = tpu.memref_slice %arg4[%arg1, %add3A_349, %dma_start3A_356] : memref<16x128x80xi32, #tpu.memory_space<hbm>> -> memref<1x1x80xi32, #tpu.memory_space<hbm>>
        %dma_start3A_358 = tpu.memref_squeeze %dma_start3A_357 : memref<1x1x80xi32, #tpu.memory_space<hbm>> -> memref<80xi32, #tpu.memory_space<hbm>>
        %dma_start3A_359 = arith.constant 0 : i32
        %dma_start3A_360 = tpu.memref_slice %arg4[%arg1, %add3A_349, %dma_start3A_359] : memref<16x128x80xi32, #tpu.memory_space<hbm>> -> memref<1x1x80xi32, #tpu.memory_space<hbm>>
        %dma_start3A_361 = tpu.memref_squeeze %dma_start3A_360 : memref<1x1x80xi32, #tpu.memory_space<hbm>> -> memref<80xi32, #tpu.memory_space<hbm>>
        tpu.enqueue_dma source(%dma_start3A_361 : memref<80xi32, #tpu.memory_space<hbm>>) target(%arg18 : memref<80xi32, #tpu.memory_space<vmem>>) target_semaphore(%arg39 : memref<!tpu.dma_semaphore, #tpu.memory_space<semaphore_mem>>)
      } else {
      }
      %mul3A_174 = arith.constant 8 : i32
      %mul3A_175 = arith.muli %scan3A_119, %mul3A_174 : i32
      %add3A_176 = arith.constant 2 : i32
      %add3A_177 = arith.addi %mul3A_175, %add3A_176 : i32
      %dma_wait3A_178 = arith.constant 0 : i32
      %dma_wait3A_179 = arith.constant 0 : i32
      %dma_wait3A_180 = tpu.memref_slice %arg2[%dma_wait3A_178, %dma_wait3A_179] : memref<20000x128xf32, #tpu.memory_space<hbm>> -> memref<20000x128xf32, #tpu.memory_space<hbm>>
      tpu.wait_indirect_dma semaphore(%arg29 : memref<!tpu.dma_semaphore, #tpu.memory_space<semaphore_mem>>) src(%dma_wait3A_180 : memref<20000x128xf32, #tpu.memory_space<hbm>>) dst(%arg24 : memref<80x128xf32, #tpu.memory_space<vmem>>)
      %dma_start3A_181 = arith.constant 0 : i32
      %dma_start3A_182 = arith.constant 0 : i32
      %dma_start3A_183 = tpu.memref_slice %arg26[%dma_start3A_181, %dma_start3A_182] : memref<10240x128xf32, #tpu.memory_space<vmem_shared>> -> memref<10240x128xf32, #tpu.memory_space<vmem_shared>>
      tpu.enqueue_indirect_dma source(%arg24 : memref<80x128xf32, #tpu.memory_space<vmem>>) target(%dma_start3A_183 : memref<10240x128xf32, #tpu.memory_space<vmem_shared>>) offsets(%arg16 : memref<80xi32, #tpu.memory_space<vmem>>) semaphore(%arg33 : memref<!tpu.dma_semaphore, #tpu.memory_space<semaphore_mem>>) {add = true}
      %ge3A_184 = arith.constant 2 : i32
      %ge3A_185 = arith.cmpi sge, %add3A_177, %ge3A_184 : i32
      %convert_element_type3A_186 = arith.extui %ge3A_185 : i1 to i32
      %cond3A_187 = arith.constant 0 : i32
      %cond3A_188 = arith.cmpi ne, %convert_element_type3A_186, %cond3A_187 : i32
      scf.if %cond3A_188 {
        %dma_wait3A_348 = arith.constant 0 : i32
        %dma_wait3A_349 = arith.constant 0 : i32
        %dma_wait3A_350 = tpu.memref_slice %arg26[%dma_wait3A_348, %dma_wait3A_349] : memref<10240x128xf32, #tpu.memory_space<vmem_shared>> -> memref<10240x128xf32, #tpu.memory_space<vmem_shared>>
        tpu.wait_indirect_dma semaphore(%arg31 : memref<!tpu.dma_semaphore, #tpu.memory_space<semaphore_mem>>) src(%arg22 : memref<80x128xf32, #tpu.memory_space<vmem>>) dst(%dma_wait3A_350 : memref<10240x128xf32, #tpu.memory_space<vmem_shared>>)
      } else {
      }
      %add3A_189 = arith.constant 2 : i32
      %add3A_190 = arith.addi %add3A_177, %add3A_189 : i32
      %lt3A_191 = arith.constant 128 : i32
      %lt3A_192 = arith.cmpi slt, %add3A_190, %lt3A_191 : i32
      %convert_element_type3A_193 = arith.extui %lt3A_192 : i1 to i32
      %cond3A_194 = arith.constant 0 : i32
      %cond3A_195 = arith.cmpi ne, %convert_element_type3A_193, %cond3A_194 : i32
      scf.if %cond3A_195 {
        %add3A_348 = arith.constant 2 : i32
        %add3A_349 = arith.addi %add3A_177, %add3A_348 : i32
        %dma_wait3A_350 = arith.constant 0 : i32
        %dma_wait3A_351 = tpu.memref_slice %arg3[%arg0, %arg1, %add3A_349, %dma_wait3A_350] : memref<2x16x128x80xi32, #tpu.memory_space<hbm>> -> memref<1x1x1x80xi32, #tpu.memory_space<hbm>>
        %dma_wait3A_352 = tpu.memref_squeeze %dma_wait3A_351 : memref<1x1x1x80xi32, #tpu.memory_space<hbm>> -> memref<80xi32, #tpu.memory_space<hbm>>
        %dma_wait3A_353 = arith.constant 0 : i32
        %dma_wait3A_354 = tpu.memref_slice %arg3[%arg0, %arg1, %add3A_349, %dma_wait3A_353] : memref<2x16x128x80xi32, #tpu.memory_space<hbm>> -> memref<1x1x1x80xi32, #tpu.memory_space<hbm>>
        %dma_wait3A_355 = tpu.memref_squeeze %dma_wait3A_354 : memref<1x1x1x80xi32, #tpu.memory_space<hbm>> -> memref<80xi32, #tpu.memory_space<hbm>>
        tpu.wait_dma2 semaphore(%arg39 : memref<!tpu.dma_semaphore, #tpu.memory_space<semaphore_mem>>) src(%dma_wait3A_355 : memref<80xi32, #tpu.memory_space<hbm>>) dst(%arg10 : memref<80xi32, #tpu.memory_space<vmem>>)
        %dma_wait3A_356 = arith.constant 0 : i32
        %dma_wait3A_357 = tpu.memref_slice %arg4[%arg1, %add3A_349, %dma_wait3A_356] : memref<16x128x80xi32, #tpu.memory_space<hbm>> -> memref<1x1x80xi32, #tpu.memory_space<hbm>>
        %dma_wait3A_358 = tpu.memref_squeeze %dma_wait3A_357 : memref<1x1x80xi32, #tpu.memory_space<hbm>> -> memref<80xi32, #tpu.memory_space<hbm>>
        %dma_wait3A_359 = arith.constant 0 : i32
        %dma_wait3A_360 = tpu.memref_slice %arg4[%arg1, %add3A_349, %dma_wait3A_359] : memref<16x128x80xi32, #tpu.memory_space<hbm>> -> memref<1x1x80xi32, #tpu.memory_space<hbm>>
        %dma_wait3A_361 = tpu.memref_squeeze %dma_wait3A_360 : memref<1x1x80xi32, #tpu.memory_space<hbm>> -> memref<80xi32, #tpu.memory_space<hbm>>
        tpu.wait_dma2 semaphore(%arg39 : memref<!tpu.dma_semaphore, #tpu.memory_space<semaphore_mem>>) src(%dma_wait3A_361 : memref<80xi32, #tpu.memory_space<hbm>>) dst(%arg18 : memref<80xi32, #tpu.memory_space<vmem>>)
        %dma_start3A_362 = arith.constant 0 : i32
        %dma_start3A_363 = arith.constant 0 : i32
        %dma_start3A_364 = tpu.memref_slice %arg2[%dma_start3A_362, %dma_start3A_363] : memref<20000x128xf32, #tpu.memory_space<hbm>> -> memref<20000x128xf32, #tpu.memory_space<hbm>>
        tpu.enqueue_indirect_dma source(%dma_start3A_364 : memref<20000x128xf32, #tpu.memory_space<hbm>>) target(%arg22 : memref<80x128xf32, #tpu.memory_space<vmem>>) offsets(%arg10 : memref<80xi32, #tpu.memory_space<vmem>>) semaphore(%arg27 : memref<!tpu.dma_semaphore, #tpu.memory_space<semaphore_mem>>)
      } else {
      }
      %add3A_196 = arith.constant 3 : i32
      %add3A_197 = arith.addi %add3A_177, %add3A_196 : i32
      %lt3A_198 = arith.constant 128 : i32
      %lt3A_199 = arith.cmpi slt, %add3A_197, %lt3A_198 : i32
      %convert_element_type3A_200 = arith.extui %lt3A_199 : i1 to i32
      %cond3A_201 = arith.constant 0 : i32
      %cond3A_202 = arith.cmpi ne, %convert_element_type3A_200, %cond3A_201 : i32
      scf.if %cond3A_202 {
        %add3A_348 = arith.constant 3 : i32
        %add3A_349 = arith.addi %add3A_177, %add3A_348 : i32
        %dma_start3A_350 = arith.constant 0 : i32
        %dma_start3A_351 = tpu.memref_slice %arg3[%arg0, %arg1, %add3A_349, %dma_start3A_350] : memref<2x16x128x80xi32, #tpu.memory_space<hbm>> -> memref<1x1x1x80xi32, #tpu.memory_space<hbm>>
        %dma_start3A_352 = tpu.memref_squeeze %dma_start3A_351 : memref<1x1x1x80xi32, #tpu.memory_space<hbm>> -> memref<80xi32, #tpu.memory_space<hbm>>
        %dma_start3A_353 = arith.constant 0 : i32
        %dma_start3A_354 = tpu.memref_slice %arg3[%arg0, %arg1, %add3A_349, %dma_start3A_353] : memref<2x16x128x80xi32, #tpu.memory_space<hbm>> -> memref<1x1x1x80xi32, #tpu.memory_space<hbm>>
        %dma_start3A_355 = tpu.memref_squeeze %dma_start3A_354 : memref<1x1x1x80xi32, #tpu.memory_space<hbm>> -> memref<80xi32, #tpu.memory_space<hbm>>
        tpu.enqueue_dma source(%dma_start3A_355 : memref<80xi32, #tpu.memory_space<hbm>>) target(%arg11 : memref<80xi32, #tpu.memory_space<vmem>>) target_semaphore(%arg40 : memref<!tpu.dma_semaphore, #tpu.memory_space<semaphore_mem>>)
        %dma_start3A_356 = arith.constant 0 : i32
        %dma_start3A_357 = tpu.memref_slice %arg4[%arg1, %add3A_349, %dma_start3A_356] : memref<16x128x80xi32, #tpu.memory_space<hbm>> -> memref<1x1x80xi32, #tpu.memory_space<hbm>>
        %dma_start3A_358 = tpu.memref_squeeze %dma_start3A_357 : memref<1x1x80xi32, #tpu.memory_space<hbm>> -> memref<80xi32, #tpu.memory_space<hbm>>
        %dma_start3A_359 = arith.constant 0 : i32
        %dma_start3A_360 = tpu.memref_slice %arg4[%arg1, %add3A_349, %dma_start3A_359] : memref<16x128x80xi32, #tpu.memory_space<hbm>> -> memref<1x1x80xi32, #tpu.memory_space<hbm>>
        %dma_start3A_361 = tpu.memref_squeeze %dma_start3A_360 : memref<1x1x80xi32, #tpu.memory_space<hbm>> -> memref<80xi32, #tpu.memory_space<hbm>>
        tpu.enqueue_dma source(%dma_start3A_361 : memref<80xi32, #tpu.memory_space<hbm>>) target(%arg19 : memref<80xi32, #tpu.memory_space<vmem>>) target_semaphore(%arg40 : memref<!tpu.dma_semaphore, #tpu.memory_space<semaphore_mem>>)
      } else {
      }
      %mul3A_203 = arith.constant 8 : i32
      %mul3A_204 = arith.muli %scan3A_119, %mul3A_203 : i32
      %add3A_205 = arith.constant 3 : i32
      %add3A_206 = arith.addi %mul3A_204, %add3A_205 : i32
      %dma_wait3A_207 = arith.constant 0 : i32
      %dma_wait3A_208 = arith.constant 0 : i32
      %dma_wait3A_209 = tpu.memref_slice %arg2[%dma_wait3A_207, %dma_wait3A_208] : memref<20000x128xf32, #tpu.memory_space<hbm>> -> memref<20000x128xf32, #tpu.memory_space<hbm>>
      tpu.wait_indirect_dma semaphore(%arg30 : memref<!tpu.dma_semaphore, #tpu.memory_space<semaphore_mem>>) src(%dma_wait3A_209 : memref<20000x128xf32, #tpu.memory_space<hbm>>) dst(%arg25 : memref<80x128xf32, #tpu.memory_space<vmem>>)
      %dma_start3A_210 = arith.constant 0 : i32
      %dma_start3A_211 = arith.constant 0 : i32
      %dma_start3A_212 = tpu.memref_slice %arg26[%dma_start3A_210, %dma_start3A_211] : memref<10240x128xf32, #tpu.memory_space<vmem_shared>> -> memref<10240x128xf32, #tpu.memory_space<vmem_shared>>
      tpu.enqueue_indirect_dma source(%arg25 : memref<80x128xf32, #tpu.memory_space<vmem>>) target(%dma_start3A_212 : memref<10240x128xf32, #tpu.memory_space<vmem_shared>>) offsets(%arg17 : memref<80xi32, #tpu.memory_space<vmem>>) semaphore(%arg34 : memref<!tpu.dma_semaphore, #tpu.memory_space<semaphore_mem>>) {add = true}
      %ge3A_213 = arith.constant 2 : i32
      %ge3A_214 = arith.cmpi sge, %add3A_206, %ge3A_213 : i32
      %convert_element_type3A_215 = arith.extui %ge3A_214 : i1 to i32
      %cond3A_216 = arith.constant 0 : i32
      %cond3A_217 = arith.cmpi ne, %convert_element_type3A_215, %cond3A_216 : i32
      scf.if %cond3A_217 {
        %dma_wait3A_348 = arith.constant 0 : i32
        %dma_wait3A_349 = arith.constant 0 : i32
        %dma_wait3A_350 = tpu.memref_slice %arg26[%dma_wait3A_348, %dma_wait3A_349] : memref<10240x128xf32, #tpu.memory_space<vmem_shared>> -> memref<10240x128xf32, #tpu.memory_space<vmem_shared>>
        tpu.wait_indirect_dma semaphore(%arg32 : memref<!tpu.dma_semaphore, #tpu.memory_space<semaphore_mem>>) src(%arg23 : memref<80x128xf32, #tpu.memory_space<vmem>>) dst(%dma_wait3A_350 : memref<10240x128xf32, #tpu.memory_space<vmem_shared>>)
      } else {
      }
      %add3A_218 = arith.constant 2 : i32
      %add3A_219 = arith.addi %add3A_206, %add3A_218 : i32
      %lt3A_220 = arith.constant 128 : i32
      %lt3A_221 = arith.cmpi slt, %add3A_219, %lt3A_220 : i32
      %convert_element_type3A_222 = arith.extui %lt3A_221 : i1 to i32
      %cond3A_223 = arith.constant 0 : i32
      %cond3A_224 = arith.cmpi ne, %convert_element_type3A_222, %cond3A_223 : i32
      scf.if %cond3A_224 {
        %add3A_348 = arith.constant 2 : i32
        %add3A_349 = arith.addi %add3A_206, %add3A_348 : i32
        %dma_wait3A_350 = arith.constant 0 : i32
        %dma_wait3A_351 = tpu.memref_slice %arg3[%arg0, %arg1, %add3A_349, %dma_wait3A_350] : memref<2x16x128x80xi32, #tpu.memory_space<hbm>> -> memref<1x1x1x80xi32, #tpu.memory_space<hbm>>
        %dma_wait3A_352 = tpu.memref_squeeze %dma_wait3A_351 : memref<1x1x1x80xi32, #tpu.memory_space<hbm>> -> memref<80xi32, #tpu.memory_space<hbm>>
        %dma_wait3A_353 = arith.constant 0 : i32
        %dma_wait3A_354 = tpu.memref_slice %arg3[%arg0, %arg1, %add3A_349, %dma_wait3A_353] : memref<2x16x128x80xi32, #tpu.memory_space<hbm>> -> memref<1x1x1x80xi32, #tpu.memory_space<hbm>>
        %dma_wait3A_355 = tpu.memref_squeeze %dma_wait3A_354 : memref<1x1x1x80xi32, #tpu.memory_space<hbm>> -> memref<80xi32, #tpu.memory_space<hbm>>
        tpu.wait_dma2 semaphore(%arg40 : memref<!tpu.dma_semaphore, #tpu.memory_space<semaphore_mem>>) src(%dma_wait3A_355 : memref<80xi32, #tpu.memory_space<hbm>>) dst(%arg11 : memref<80xi32, #tpu.memory_space<vmem>>)
        %dma_wait3A_356 = arith.constant 0 : i32
        %dma_wait3A_357 = tpu.memref_slice %arg4[%arg1, %add3A_349, %dma_wait3A_356] : memref<16x128x80xi32, #tpu.memory_space<hbm>> -> memref<1x1x80xi32, #tpu.memory_space<hbm>>
        %dma_wait3A_358 = tpu.memref_squeeze %dma_wait3A_357 : memref<1x1x80xi32, #tpu.memory_space<hbm>> -> memref<80xi32, #tpu.memory_space<hbm>>
        %dma_wait3A_359 = arith.constant 0 : i32
        %dma_wait3A_360 = tpu.memref_slice %arg4[%arg1, %add3A_349, %dma_wait3A_359] : memref<16x128x80xi32, #tpu.memory_space<hbm>> -> memref<1x1x80xi32, #tpu.memory_space<hbm>>
        %dma_wait3A_361 = tpu.memref_squeeze %dma_wait3A_360 : memref<1x1x80xi32, #tpu.memory_space<hbm>> -> memref<80xi32, #tpu.memory_space<hbm>>
        tpu.wait_dma2 semaphore(%arg40 : memref<!tpu.dma_semaphore, #tpu.memory_space<semaphore_mem>>) src(%dma_wait3A_361 : memref<80xi32, #tpu.memory_space<hbm>>) dst(%arg19 : memref<80xi32, #tpu.memory_space<vmem>>)
        %dma_start3A_362 = arith.constant 0 : i32
        %dma_start3A_363 = arith.constant 0 : i32
        %dma_start3A_364 = tpu.memref_slice %arg2[%dma_start3A_362, %dma_start3A_363] : memref<20000x128xf32, #tpu.memory_space<hbm>> -> memref<20000x128xf32, #tpu.memory_space<hbm>>
        tpu.enqueue_indirect_dma source(%dma_start3A_364 : memref<20000x128xf32, #tpu.memory_space<hbm>>) target(%arg23 : memref<80x128xf32, #tpu.memory_space<vmem>>) offsets(%arg11 : memref<80xi32, #tpu.memory_space<vmem>>) semaphore(%arg28 : memref<!tpu.dma_semaphore, #tpu.memory_space<semaphore_mem>>)
      } else {
      }
      %add3A_225 = arith.constant 3 : i32
      %add3A_226 = arith.addi %add3A_206, %add3A_225 : i32
      %lt3A_227 = arith.constant 128 : i32
      %lt3A_228 = arith.cmpi slt, %add3A_226, %lt3A_227 : i32
      %convert_element_type3A_229 = arith.extui %lt3A_228 : i1 to i32
      %cond3A_230 = arith.constant 0 : i32
      %cond3A_231 = arith.cmpi ne, %convert_element_type3A_229, %cond3A_230 : i32
      scf.if %cond3A_231 {
        %add3A_348 = arith.constant 3 : i32
        %add3A_349 = arith.addi %add3A_206, %add3A_348 : i32
        %dma_start3A_350 = arith.constant 0 : i32
        %dma_start3A_351 = tpu.memref_slice %arg3[%arg0, %arg1, %add3A_349, %dma_start3A_350] : memref<2x16x128x80xi32, #tpu.memory_space<hbm>> -> memref<1x1x1x80xi32, #tpu.memory_space<hbm>>
        %dma_start3A_352 = tpu.memref_squeeze %dma_start3A_351 : memref<1x1x1x80xi32, #tpu.memory_space<hbm>> -> memref<80xi32, #tpu.memory_space<hbm>>
        %dma_start3A_353 = arith.constant 0 : i32
        %dma_start3A_354 = tpu.memref_slice %arg3[%arg0, %arg1, %add3A_349, %dma_start3A_353] : memref<2x16x128x80xi32, #tpu.memory_space<hbm>> -> memref<1x1x1x80xi32, #tpu.memory_space<hbm>>
        %dma_start3A_355 = tpu.memref_squeeze %dma_start3A_354 : memref<1x1x1x80xi32, #tpu.memory_space<hbm>> -> memref<80xi32, #tpu.memory_space<hbm>>
        tpu.enqueue_dma source(%dma_start3A_355 : memref<80xi32, #tpu.memory_space<hbm>>) target(%arg12 : memref<80xi32, #tpu.memory_space<vmem>>) target_semaphore(%arg41 : memref<!tpu.dma_semaphore, #tpu.memory_space<semaphore_mem>>)
        %dma_start3A_356 = arith.constant 0 : i32
        %dma_start3A_357 = tpu.memref_slice %arg4[%arg1, %add3A_349, %dma_start3A_356] : memref<16x128x80xi32, #tpu.memory_space<hbm>> -> memref<1x1x80xi32, #tpu.memory_space<hbm>>
        %dma_start3A_358 = tpu.memref_squeeze %dma_start3A_357 : memref<1x1x80xi32, #tpu.memory_space<hbm>> -> memref<80xi32, #tpu.memory_space<hbm>>
        %dma_start3A_359 = arith.constant 0 : i32
        %dma_start3A_360 = tpu.memref_slice %arg4[%arg1, %add3A_349, %dma_start3A_359] : memref<16x128x80xi32, #tpu.memory_space<hbm>> -> memref<1x1x80xi32, #tpu.memory_space<hbm>>
        %dma_start3A_361 = tpu.memref_squeeze %dma_start3A_360 : memref<1x1x80xi32, #tpu.memory_space<hbm>> -> memref<80xi32, #tpu.memory_space<hbm>>
        tpu.enqueue_dma source(%dma_start3A_361 : memref<80xi32, #tpu.memory_space<hbm>>) target(%arg20 : memref<80xi32, #tpu.memory_space<vmem>>) target_semaphore(%arg41 : memref<!tpu.dma_semaphore, #tpu.memory_space<semaphore_mem>>)
      } else {
      }
      %mul3A_232 = arith.constant 8 : i32
      %mul3A_233 = arith.muli %scan3A_119, %mul3A_232 : i32
      %add3A_234 = arith.constant 4 : i32
      %add3A_235 = arith.addi %mul3A_233, %add3A_234 : i32
      %dma_wait3A_236 = arith.constant 0 : i32
      %dma_wait3A_237 = arith.constant 0 : i32
      %dma_wait3A_238 = tpu.memref_slice %arg2[%dma_wait3A_236, %dma_wait3A_237] : memref<20000x128xf32, #tpu.memory_space<hbm>> -> memref<20000x128xf32, #tpu.memory_space<hbm>>
      tpu.wait_indirect_dma semaphore(%arg27 : memref<!tpu.dma_semaphore, #tpu.memory_space<semaphore_mem>>) src(%dma_wait3A_238 : memref<20000x128xf32, #tpu.memory_space<hbm>>) dst(%arg22 : memref<80x128xf32, #tpu.memory_space<vmem>>)
      %dma_start3A_239 = arith.constant 0 : i32
      %dma_start3A_240 = arith.constant 0 : i32
      %dma_start3A_241 = tpu.memref_slice %arg26[%dma_start3A_239, %dma_start3A_240] : memref<10240x128xf32, #tpu.memory_space<vmem_shared>> -> memref<10240x128xf32, #tpu.memory_space<vmem_shared>>
      tpu.enqueue_indirect_dma source(%arg22 : memref<80x128xf32, #tpu.memory_space<vmem>>) target(%dma_start3A_241 : memref<10240x128xf32, #tpu.memory_space<vmem_shared>>) offsets(%arg18 : memref<80xi32, #tpu.memory_space<vmem>>) semaphore(%arg31 : memref<!tpu.dma_semaphore, #tpu.memory_space<semaphore_mem>>) {add = true}
      %ge3A_242 = arith.constant 2 : i32
      %ge3A_243 = arith.cmpi sge, %add3A_235, %ge3A_242 : i32
      %convert_element_type3A_244 = arith.extui %ge3A_243 : i1 to i32
      %cond3A_245 = arith.constant 0 : i32
      %cond3A_246 = arith.cmpi ne, %convert_element_type3A_244, %cond3A_245 : i32
      scf.if %cond3A_246 {
        %dma_wait3A_348 = arith.constant 0 : i32
        %dma_wait3A_349 = arith.constant 0 : i32
        %dma_wait3A_350 = tpu.memref_slice %arg26[%dma_wait3A_348, %dma_wait3A_349] : memref<10240x128xf32, #tpu.memory_space<vmem_shared>> -> memref<10240x128xf32, #tpu.memory_space<vmem_shared>>
        tpu.wait_indirect_dma semaphore(%arg33 : memref<!tpu.dma_semaphore, #tpu.memory_space<semaphore_mem>>) src(%arg24 : memref<80x128xf32, #tpu.memory_space<vmem>>) dst(%dma_wait3A_350 : memref<10240x128xf32, #tpu.memory_space<vmem_shared>>)
      } else {
      }
      %add3A_247 = arith.constant 2 : i32
      %add3A_248 = arith.addi %add3A_235, %add3A_247 : i32
      %lt3A_249 = arith.constant 128 : i32
      %lt3A_250 = arith.cmpi slt, %add3A_248, %lt3A_249 : i32
      %convert_element_type3A_251 = arith.extui %lt3A_250 : i1 to i32
      %cond3A_252 = arith.constant 0 : i32
      %cond3A_253 = arith.cmpi ne, %convert_element_type3A_251, %cond3A_252 : i32
      scf.if %cond3A_253 {
        %add3A_348 = arith.constant 2 : i32
        %add3A_349 = arith.addi %add3A_235, %add3A_348 : i32
        %dma_wait3A_350 = arith.constant 0 : i32
        %dma_wait3A_351 = tpu.memref_slice %arg3[%arg0, %arg1, %add3A_349, %dma_wait3A_350] : memref<2x16x128x80xi32, #tpu.memory_space<hbm>> -> memref<1x1x1x80xi32, #tpu.memory_space<hbm>>
        %dma_wait3A_352 = tpu.memref_squeeze %dma_wait3A_351 : memref<1x1x1x80xi32, #tpu.memory_space<hbm>> -> memref<80xi32, #tpu.memory_space<hbm>>
        %dma_wait3A_353 = arith.constant 0 : i32
        %dma_wait3A_354 = tpu.memref_slice %arg3[%arg0, %arg1, %add3A_349, %dma_wait3A_353] : memref<2x16x128x80xi32, #tpu.memory_space<hbm>> -> memref<1x1x1x80xi32, #tpu.memory_space<hbm>>
        %dma_wait3A_355 = tpu.memref_squeeze %dma_wait3A_354 : memref<1x1x1x80xi32, #tpu.memory_space<hbm>> -> memref<80xi32, #tpu.memory_space<hbm>>
        tpu.wait_dma2 semaphore(%arg41 : memref<!tpu.dma_semaphore, #tpu.memory_space<semaphore_mem>>) src(%dma_wait3A_355 : memref<80xi32, #tpu.memory_space<hbm>>) dst(%arg12 : memref<80xi32, #tpu.memory_space<vmem>>)
        %dma_wait3A_356 = arith.constant 0 : i32
        %dma_wait3A_357 = tpu.memref_slice %arg4[%arg1, %add3A_349, %dma_wait3A_356] : memref<16x128x80xi32, #tpu.memory_space<hbm>> -> memref<1x1x80xi32, #tpu.memory_space<hbm>>
        %dma_wait3A_358 = tpu.memref_squeeze %dma_wait3A_357 : memref<1x1x80xi32, #tpu.memory_space<hbm>> -> memref<80xi32, #tpu.memory_space<hbm>>
        %dma_wait3A_359 = arith.constant 0 : i32
        %dma_wait3A_360 = tpu.memref_slice %arg4[%arg1, %add3A_349, %dma_wait3A_359] : memref<16x128x80xi32, #tpu.memory_space<hbm>> -> memref<1x1x80xi32, #tpu.memory_space<hbm>>
        %dma_wait3A_361 = tpu.memref_squeeze %dma_wait3A_360 : memref<1x1x80xi32, #tpu.memory_space<hbm>> -> memref<80xi32, #tpu.memory_space<hbm>>
        tpu.wait_dma2 semaphore(%arg41 : memref<!tpu.dma_semaphore, #tpu.memory_space<semaphore_mem>>) src(%dma_wait3A_361 : memref<80xi32, #tpu.memory_space<hbm>>) dst(%arg20 : memref<80xi32, #tpu.memory_space<vmem>>)
        %dma_start3A_362 = arith.constant 0 : i32
        %dma_start3A_363 = arith.constant 0 : i32
        %dma_start3A_364 = tpu.memref_slice %arg2[%dma_start3A_362, %dma_start3A_363] : memref<20000x128xf32, #tpu.memory_space<hbm>> -> memref<20000x128xf32, #tpu.memory_space<hbm>>
        tpu.enqueue_indirect_dma source(%dma_start3A_364 : memref<20000x128xf32, #tpu.memory_space<hbm>>) target(%arg24 : memref<80x128xf32, #tpu.memory_space<vmem>>) offsets(%arg12 : memref<80xi32, #tpu.memory_space<vmem>>) semaphore(%arg29 : memref<!tpu.dma_semaphore, #tpu.memory_space<semaphore_mem>>)
      } else {
      }
      %add3A_254 = arith.constant 3 : i32
      %add3A_255 = arith.addi %add3A_235, %add3A_254 : i32
      %lt3A_256 = arith.constant 128 : i32
      %lt3A_257 = arith.cmpi slt, %add3A_255, %lt3A_256 : i32
      %convert_element_type3A_258 = arith.extui %lt3A_257 : i1 to i32
      %cond3A_259 = arith.constant 0 : i32
      %cond3A_260 = arith.cmpi ne, %convert_element_type3A_258, %cond3A_259 : i32
      scf.if %cond3A_260 {
        %add3A_348 = arith.constant 3 : i32
        %add3A_349 = arith.addi %add3A_235, %add3A_348 : i32
        %dma_start3A_350 = arith.constant 0 : i32
        %dma_start3A_351 = tpu.memref_slice %arg3[%arg0, %arg1, %add3A_349, %dma_start3A_350] : memref<2x16x128x80xi32, #tpu.memory_space<hbm>> -> memref<1x1x1x80xi32, #tpu.memory_space<hbm>>
        %dma_start3A_352 = tpu.memref_squeeze %dma_start3A_351 : memref<1x1x1x80xi32, #tpu.memory_space<hbm>> -> memref<80xi32, #tpu.memory_space<hbm>>
        %dma_start3A_353 = arith.constant 0 : i32
        %dma_start3A_354 = tpu.memref_slice %arg3[%arg0, %arg1, %add3A_349, %dma_start3A_353] : memref<2x16x128x80xi32, #tpu.memory_space<hbm>> -> memref<1x1x1x80xi32, #tpu.memory_space<hbm>>
        %dma_start3A_355 = tpu.memref_squeeze %dma_start3A_354 : memref<1x1x1x80xi32, #tpu.memory_space<hbm>> -> memref<80xi32, #tpu.memory_space<hbm>>
        tpu.enqueue_dma source(%dma_start3A_355 : memref<80xi32, #tpu.memory_space<hbm>>) target(%arg13 : memref<80xi32, #tpu.memory_space<vmem>>) target_semaphore(%arg42 : memref<!tpu.dma_semaphore, #tpu.memory_space<semaphore_mem>>)
        %dma_start3A_356 = arith.constant 0 : i32
        %dma_start3A_357 = tpu.memref_slice %arg4[%arg1, %add3A_349, %dma_start3A_356] : memref<16x128x80xi32, #tpu.memory_space<hbm>> -> memref<1x1x80xi32, #tpu.memory_space<hbm>>
        %dma_start3A_358 = tpu.memref_squeeze %dma_start3A_357 : memref<1x1x80xi32, #tpu.memory_space<hbm>> -> memref<80xi32, #tpu.memory_space<hbm>>
        %dma_start3A_359 = arith.constant 0 : i32
        %dma_start3A_360 = tpu.memref_slice %arg4[%arg1, %add3A_349, %dma_start3A_359] : memref<16x128x80xi32, #tpu.memory_space<hbm>> -> memref<1x1x80xi32, #tpu.memory_space<hbm>>
        %dma_start3A_361 = tpu.memref_squeeze %dma_start3A_360 : memref<1x1x80xi32, #tpu.memory_space<hbm>> -> memref<80xi32, #tpu.memory_space<hbm>>
        tpu.enqueue_dma source(%dma_start3A_361 : memref<80xi32, #tpu.memory_space<hbm>>) target(%arg21 : memref<80xi32, #tpu.memory_space<vmem>>) target_semaphore(%arg42 : memref<!tpu.dma_semaphore, #tpu.memory_space<semaphore_mem>>)
      } else {
      }
      %mul3A_261 = arith.constant 8 : i32
      %mul3A_262 = arith.muli %scan3A_119, %mul3A_261 : i32
      %add3A_263 = arith.constant 5 : i32
      %add3A_264 = arith.addi %mul3A_262, %add3A_263 : i32
      %dma_wait3A_265 = arith.constant 0 : i32
      %dma_wait3A_266 = arith.constant 0 : i32
      %dma_wait3A_267 = tpu.memref_slice %arg2[%dma_wait3A_265, %dma_wait3A_266] : memref<20000x128xf32, #tpu.memory_space<hbm>> -> memref<20000x128xf32, #tpu.memory_space<hbm>>
      tpu.wait_indirect_dma semaphore(%arg28 : memref<!tpu.dma_semaphore, #tpu.memory_space<semaphore_mem>>) src(%dma_wait3A_267 : memref<20000x128xf32, #tpu.memory_space<hbm>>) dst(%arg23 : memref<80x128xf32, #tpu.memory_space<vmem>>)
      %dma_start3A_268 = arith.constant 0 : i32
      %dma_start3A_269 = arith.constant 0 : i32
      %dma_start3A_270 = tpu.memref_slice %arg26[%dma_start3A_268, %dma_start3A_269] : memref<10240x128xf32, #tpu.memory_space<vmem_shared>> -> memref<10240x128xf32, #tpu.memory_space<vmem_shared>>
      tpu.enqueue_indirect_dma source(%arg23 : memref<80x128xf32, #tpu.memory_space<vmem>>) target(%dma_start3A_270 : memref<10240x128xf32, #tpu.memory_space<vmem_shared>>) offsets(%arg19 : memref<80xi32, #tpu.memory_space<vmem>>) semaphore(%arg32 : memref<!tpu.dma_semaphore, #tpu.memory_space<semaphore_mem>>) {add = true}
      %ge3A_271 = arith.constant 2 : i32
      %ge3A_272 = arith.cmpi sge, %add3A_264, %ge3A_271 : i32
      %convert_element_type3A_273 = arith.extui %ge3A_272 : i1 to i32
      %cond3A_274 = arith.constant 0 : i32
      %cond3A_275 = arith.cmpi ne, %convert_element_type3A_273, %cond3A_274 : i32
      scf.if %cond3A_275 {
        %dma_wait3A_348 = arith.constant 0 : i32
        %dma_wait3A_349 = arith.constant 0 : i32
        %dma_wait3A_350 = tpu.memref_slice %arg26[%dma_wait3A_348, %dma_wait3A_349] : memref<10240x128xf32, #tpu.memory_space<vmem_shared>> -> memref<10240x128xf32, #tpu.memory_space<vmem_shared>>
        tpu.wait_indirect_dma semaphore(%arg34 : memref<!tpu.dma_semaphore, #tpu.memory_space<semaphore_mem>>) src(%arg25 : memref<80x128xf32, #tpu.memory_space<vmem>>) dst(%dma_wait3A_350 : memref<10240x128xf32, #tpu.memory_space<vmem_shared>>)
      } else {
      }
      %add3A_276 = arith.constant 2 : i32
      %add3A_277 = arith.addi %add3A_264, %add3A_276 : i32
      %lt3A_278 = arith.constant 128 : i32
      %lt3A_279 = arith.cmpi slt, %add3A_277, %lt3A_278 : i32
      %convert_element_type3A_280 = arith.extui %lt3A_279 : i1 to i32
      %cond3A_281 = arith.constant 0 : i32
      %cond3A_282 = arith.cmpi ne, %convert_element_type3A_280, %cond3A_281 : i32
      scf.if %cond3A_282 {
        %add3A_348 = arith.constant 2 : i32
        %add3A_349 = arith.addi %add3A_264, %add3A_348 : i32
        %dma_wait3A_350 = arith.constant 0 : i32
        %dma_wait3A_351 = tpu.memref_slice %arg3[%arg0, %arg1, %add3A_349, %dma_wait3A_350] : memref<2x16x128x80xi32, #tpu.memory_space<hbm>> -> memref<1x1x1x80xi32, #tpu.memory_space<hbm>>
        %dma_wait3A_352 = tpu.memref_squeeze %dma_wait3A_351 : memref<1x1x1x80xi32, #tpu.memory_space<hbm>> -> memref<80xi32, #tpu.memory_space<hbm>>
        %dma_wait3A_353 = arith.constant 0 : i32
        %dma_wait3A_354 = tpu.memref_slice %arg3[%arg0, %arg1, %add3A_349, %dma_wait3A_353] : memref<2x16x128x80xi32, #tpu.memory_space<hbm>> -> memref<1x1x1x80xi32, #tpu.memory_space<hbm>>
        %dma_wait3A_355 = tpu.memref_squeeze %dma_wait3A_354 : memref<1x1x1x80xi32, #tpu.memory_space<hbm>> -> memref<80xi32, #tpu.memory_space<hbm>>
        tpu.wait_dma2 semaphore(%arg42 : memref<!tpu.dma_semaphore, #tpu.memory_space<semaphore_mem>>) src(%dma_wait3A_355 : memref<80xi32, #tpu.memory_space<hbm>>) dst(%arg13 : memref<80xi32, #tpu.memory_space<vmem>>)
        %dma_wait3A_356 = arith.constant 0 : i32
        %dma_wait3A_357 = tpu.memref_slice %arg4[%arg1, %add3A_349, %dma_wait3A_356] : memref<16x128x80xi32, #tpu.memory_space<hbm>> -> memref<1x1x80xi32, #tpu.memory_space<hbm>>
        %dma_wait3A_358 = tpu.memref_squeeze %dma_wait3A_357 : memref<1x1x80xi32, #tpu.memory_space<hbm>> -> memref<80xi32, #tpu.memory_space<hbm>>
        %dma_wait3A_359 = arith.constant 0 : i32
        %dma_wait3A_360 = tpu.memref_slice %arg4[%arg1, %add3A_349, %dma_wait3A_359] : memref<16x128x80xi32, #tpu.memory_space<hbm>> -> memref<1x1x80xi32, #tpu.memory_space<hbm>>
        %dma_wait3A_361 = tpu.memref_squeeze %dma_wait3A_360 : memref<1x1x80xi32, #tpu.memory_space<hbm>> -> memref<80xi32, #tpu.memory_space<hbm>>
        tpu.wait_dma2 semaphore(%arg42 : memref<!tpu.dma_semaphore, #tpu.memory_space<semaphore_mem>>) src(%dma_wait3A_361 : memref<80xi32, #tpu.memory_space<hbm>>) dst(%arg21 : memref<80xi32, #tpu.memory_space<vmem>>)
        %dma_start3A_362 = arith.constant 0 : i32
        %dma_start3A_363 = arith.constant 0 : i32
        %dma_start3A_364 = tpu.memref_slice %arg2[%dma_start3A_362, %dma_start3A_363] : memref<20000x128xf32, #tpu.memory_space<hbm>> -> memref<20000x128xf32, #tpu.memory_space<hbm>>
        tpu.enqueue_indirect_dma source(%dma_start3A_364 : memref<20000x128xf32, #tpu.memory_space<hbm>>) target(%arg25 : memref<80x128xf32, #tpu.memory_space<vmem>>) offsets(%arg13 : memref<80xi32, #tpu.memory_space<vmem>>) semaphore(%arg30 : memref<!tpu.dma_semaphore, #tpu.memory_space<semaphore_mem>>)
      } else {
      }
      %add3A_283 = arith.constant 3 : i32
      %add3A_284 = arith.addi %add3A_264, %add3A_283 : i32
      %lt3A_285 = arith.constant 128 : i32
      %lt3A_286 = arith.cmpi slt, %add3A_284, %lt3A_285 : i32
      %convert_element_type3A_287 = arith.extui %lt3A_286 : i1 to i32
      %cond3A_288 = arith.constant 0 : i32
      %cond3A_289 = arith.cmpi ne, %convert_element_type3A_287, %cond3A_288 : i32
      scf.if %cond3A_289 {
        %add3A_348 = arith.constant 3 : i32
        %add3A_349 = arith.addi %add3A_264, %add3A_348 : i32
        %dma_start3A_350 = arith.constant 0 : i32
        %dma_start3A_351 = tpu.memref_slice %arg3[%arg0, %arg1, %add3A_349, %dma_start3A_350] : memref<2x16x128x80xi32, #tpu.memory_space<hbm>> -> memref<1x1x1x80xi32, #tpu.memory_space<hbm>>
        %dma_start3A_352 = tpu.memref_squeeze %dma_start3A_351 : memref<1x1x1x80xi32, #tpu.memory_space<hbm>> -> memref<80xi32, #tpu.memory_space<hbm>>
        %dma_start3A_353 = arith.constant 0 : i32
        %dma_start3A_354 = tpu.memref_slice %arg3[%arg0, %arg1, %add3A_349, %dma_start3A_353] : memref<2x16x128x80xi32, #tpu.memory_space<hbm>> -> memref<1x1x1x80xi32, #tpu.memory_space<hbm>>
        %dma_start3A_355 = tpu.memref_squeeze %dma_start3A_354 : memref<1x1x1x80xi32, #tpu.memory_space<hbm>> -> memref<80xi32, #tpu.memory_space<hbm>>
        tpu.enqueue_dma source(%dma_start3A_355 : memref<80xi32, #tpu.memory_space<hbm>>) target(%arg6 : memref<80xi32, #tpu.memory_space<vmem>>) target_semaphore(%arg35 : memref<!tpu.dma_semaphore, #tpu.memory_space<semaphore_mem>>)
        %dma_start3A_356 = arith.constant 0 : i32
        %dma_start3A_357 = tpu.memref_slice %arg4[%arg1, %add3A_349, %dma_start3A_356] : memref<16x128x80xi32, #tpu.memory_space<hbm>> -> memref<1x1x80xi32, #tpu.memory_space<hbm>>
        %dma_start3A_358 = tpu.memref_squeeze %dma_start3A_357 : memref<1x1x80xi32, #tpu.memory_space<hbm>> -> memref<80xi32, #tpu.memory_space<hbm>>
        %dma_start3A_359 = arith.constant 0 : i32
        %dma_start3A_360 = tpu.memref_slice %arg4[%arg1, %add3A_349, %dma_start3A_359] : memref<16x128x80xi32, #tpu.memory_space<hbm>> -> memref<1x1x80xi32, #tpu.memory_space<hbm>>
        %dma_start3A_361 = tpu.memref_squeeze %dma_start3A_360 : memref<1x1x80xi32, #tpu.memory_space<hbm>> -> memref<80xi32, #tpu.memory_space<hbm>>
        tpu.enqueue_dma source(%dma_start3A_361 : memref<80xi32, #tpu.memory_space<hbm>>) target(%arg14 : memref<80xi32, #tpu.memory_space<vmem>>) target_semaphore(%arg35 : memref<!tpu.dma_semaphore, #tpu.memory_space<semaphore_mem>>)
      } else {
      }
      %mul3A_290 = arith.constant 8 : i32
      %mul3A_291 = arith.muli %scan3A_119, %mul3A_290 : i32
      %add3A_292 = arith.constant 6 : i32
      %add3A_293 = arith.addi %mul3A_291, %add3A_292 : i32
      %dma_wait3A_294 = arith.constant 0 : i32
      %dma_wait3A_295 = arith.constant 0 : i32
      %dma_wait3A_296 = tpu.memref_slice %arg2[%dma_wait3A_294, %dma_wait3A_295] : memref<20000x128xf32, #tpu.memory_space<hbm>> -> memref<20000x128xf32, #tpu.memory_space<hbm>>
      tpu.wait_indirect_dma semaphore(%arg29 : memref<!tpu.dma_semaphore, #tpu.memory_space<semaphore_mem>>) src(%dma_wait3A_296 : memref<20000x128xf32, #tpu.memory_space<hbm>>) dst(%arg24 : memref<80x128xf32, #tpu.memory_space<vmem>>)
      %dma_start3A_297 = arith.constant 0 : i32
      %dma_start3A_298 = arith.constant 0 : i32
      %dma_start3A_299 = tpu.memref_slice %arg26[%dma_start3A_297, %dma_start3A_298] : memref<10240x128xf32, #tpu.memory_space<vmem_shared>> -> memref<10240x128xf32, #tpu.memory_space<vmem_shared>>
      tpu.enqueue_indirect_dma source(%arg24 : memref<80x128xf32, #tpu.memory_space<vmem>>) target(%dma_start3A_299 : memref<10240x128xf32, #tpu.memory_space<vmem_shared>>) offsets(%arg20 : memref<80xi32, #tpu.memory_space<vmem>>) semaphore(%arg33 : memref<!tpu.dma_semaphore, #tpu.memory_space<semaphore_mem>>) {add = true}
      %ge3A_300 = arith.constant 2 : i32
      %ge3A_301 = arith.cmpi sge, %add3A_293, %ge3A_300 : i32
      %convert_element_type3A_302 = arith.extui %ge3A_301 : i1 to i32
      %cond3A_303 = arith.constant 0 : i32
      %cond3A_304 = arith.cmpi ne, %convert_element_type3A_302, %cond3A_303 : i32
      scf.if %cond3A_304 {
        %dma_wait3A_348 = arith.constant 0 : i32
        %dma_wait3A_349 = arith.constant 0 : i32
        %dma_wait3A_350 = tpu.memref_slice %arg26[%dma_wait3A_348, %dma_wait3A_349] : memref<10240x128xf32, #tpu.memory_space<vmem_shared>> -> memref<10240x128xf32, #tpu.memory_space<vmem_shared>>
        tpu.wait_indirect_dma semaphore(%arg31 : memref<!tpu.dma_semaphore, #tpu.memory_space<semaphore_mem>>) src(%arg22 : memref<80x128xf32, #tpu.memory_space<vmem>>) dst(%dma_wait3A_350 : memref<10240x128xf32, #tpu.memory_space<vmem_shared>>)
      } else {
      }
      %add3A_305 = arith.constant 2 : i32
      %add3A_306 = arith.addi %add3A_293, %add3A_305 : i32
      %lt3A_307 = arith.constant 128 : i32
      %lt3A_308 = arith.cmpi slt, %add3A_306, %lt3A_307 : i32
      %convert_element_type3A_309 = arith.extui %lt3A_308 : i1 to i32
      %cond3A_310 = arith.constant 0 : i32
      %cond3A_311 = arith.cmpi ne, %convert_element_type3A_309, %cond3A_310 : i32
      scf.if %cond3A_311 {
        %add3A_348 = arith.constant 2 : i32
        %add3A_349 = arith.addi %add3A_293, %add3A_348 : i32
        %dma_wait3A_350 = arith.constant 0 : i32
        %dma_wait3A_351 = tpu.memref_slice %arg3[%arg0, %arg1, %add3A_349, %dma_wait3A_350] : memref<2x16x128x80xi32, #tpu.memory_space<hbm>> -> memref<1x1x1x80xi32, #tpu.memory_space<hbm>>
        %dma_wait3A_352 = tpu.memref_squeeze %dma_wait3A_351 : memref<1x1x1x80xi32, #tpu.memory_space<hbm>> -> memref<80xi32, #tpu.memory_space<hbm>>
        %dma_wait3A_353 = arith.constant 0 : i32
        %dma_wait3A_354 = tpu.memref_slice %arg3[%arg0, %arg1, %add3A_349, %dma_wait3A_353] : memref<2x16x128x80xi32, #tpu.memory_space<hbm>> -> memref<1x1x1x80xi32, #tpu.memory_space<hbm>>
        %dma_wait3A_355 = tpu.memref_squeeze %dma_wait3A_354 : memref<1x1x1x80xi32, #tpu.memory_space<hbm>> -> memref<80xi32, #tpu.memory_space<hbm>>
        tpu.wait_dma2 semaphore(%arg35 : memref<!tpu.dma_semaphore, #tpu.memory_space<semaphore_mem>>) src(%dma_wait3A_355 : memref<80xi32, #tpu.memory_space<hbm>>) dst(%arg6 : memref<80xi32, #tpu.memory_space<vmem>>)
        %dma_wait3A_356 = arith.constant 0 : i32
        %dma_wait3A_357 = tpu.memref_slice %arg4[%arg1, %add3A_349, %dma_wait3A_356] : memref<16x128x80xi32, #tpu.memory_space<hbm>> -> memref<1x1x80xi32, #tpu.memory_space<hbm>>
        %dma_wait3A_358 = tpu.memref_squeeze %dma_wait3A_357 : memref<1x1x80xi32, #tpu.memory_space<hbm>> -> memref<80xi32, #tpu.memory_space<hbm>>
        %dma_wait3A_359 = arith.constant 0 : i32
        %dma_wait3A_360 = tpu.memref_slice %arg4[%arg1, %add3A_349, %dma_wait3A_359] : memref<16x128x80xi32, #tpu.memory_space<hbm>> -> memref<1x1x80xi32, #tpu.memory_space<hbm>>
        %dma_wait3A_361 = tpu.memref_squeeze %dma_wait3A_360 : memref<1x1x80xi32, #tpu.memory_space<hbm>> -> memref<80xi32, #tpu.memory_space<hbm>>
        tpu.wait_dma2 semaphore(%arg35 : memref<!tpu.dma_semaphore, #tpu.memory_space<semaphore_mem>>) src(%dma_wait3A_361 : memref<80xi32, #tpu.memory_space<hbm>>) dst(%arg14 : memref<80xi32, #tpu.memory_space<vmem>>)
        %dma_start3A_362 = arith.constant 0 : i32
        %dma_start3A_363 = arith.constant 0 : i32
        %dma_start3A_364 = tpu.memref_slice %arg2[%dma_start3A_362, %dma_start3A_363] : memref<20000x128xf32, #tpu.memory_space<hbm>> -> memref<20000x128xf32, #tpu.memory_space<hbm>>
        tpu.enqueue_indirect_dma source(%dma_start3A_364 : memref<20000x128xf32, #tpu.memory_space<hbm>>) target(%arg22 : memref<80x128xf32, #tpu.memory_space<vmem>>) offsets(%arg6 : memref<80xi32, #tpu.memory_space<vmem>>) semaphore(%arg27 : memref<!tpu.dma_semaphore, #tpu.memory_space<semaphore_mem>>)
      } else {
      }
      %add3A_312 = arith.constant 3 : i32
      %add3A_313 = arith.addi %add3A_293, %add3A_312 : i32
      %lt3A_314 = arith.constant 128 : i32
      %lt3A_315 = arith.cmpi slt, %add3A_313, %lt3A_314 : i32
      %convert_element_type3A_316 = arith.extui %lt3A_315 : i1 to i32
      %cond3A_317 = arith.constant 0 : i32
      %cond3A_318 = arith.cmpi ne, %convert_element_type3A_316, %cond3A_317 : i32
      scf.if %cond3A_318 {
        %add3A_348 = arith.constant 3 : i32
        %add3A_349 = arith.addi %add3A_293, %add3A_348 : i32
        %dma_start3A_350 = arith.constant 0 : i32
        %dma_start3A_351 = tpu.memref_slice %arg3[%arg0, %arg1, %add3A_349, %dma_start3A_350] : memref<2x16x128x80xi32, #tpu.memory_space<hbm>> -> memref<1x1x1x80xi32, #tpu.memory_space<hbm>>
        %dma_start3A_352 = tpu.memref_squeeze %dma_start3A_351 : memref<1x1x1x80xi32, #tpu.memory_space<hbm>> -> memref<80xi32, #tpu.memory_space<hbm>>
        %dma_start3A_353 = arith.constant 0 : i32
        %dma_start3A_354 = tpu.memref_slice %arg3[%arg0, %arg1, %add3A_349, %dma_start3A_353] : memref<2x16x128x80xi32, #tpu.memory_space<hbm>> -> memref<1x1x1x80xi32, #tpu.memory_space<hbm>>
        %dma_start3A_355 = tpu.memref_squeeze %dma_start3A_354 : memref<1x1x1x80xi32, #tpu.memory_space<hbm>> -> memref<80xi32, #tpu.memory_space<hbm>>
        tpu.enqueue_dma source(%dma_start3A_355 : memref<80xi32, #tpu.memory_space<hbm>>) target(%arg7 : memref<80xi32, #tpu.memory_space<vmem>>) target_semaphore(%arg36 : memref<!tpu.dma_semaphore, #tpu.memory_space<semaphore_mem>>)
        %dma_start3A_356 = arith.constant 0 : i32
        %dma_start3A_357 = tpu.memref_slice %arg4[%arg1, %add3A_349, %dma_start3A_356] : memref<16x128x80xi32, #tpu.memory_space<hbm>> -> memref<1x1x80xi32, #tpu.memory_space<hbm>>
        %dma_start3A_358 = tpu.memref_squeeze %dma_start3A_357 : memref<1x1x80xi32, #tpu.memory_space<hbm>> -> memref<80xi32, #tpu.memory_space<hbm>>
        %dma_start3A_359 = arith.constant 0 : i32
        %dma_start3A_360 = tpu.memref_slice %arg4[%arg1, %add3A_349, %dma_start3A_359] : memref<16x128x80xi32, #tpu.memory_space<hbm>> -> memref<1x1x80xi32, #tpu.memory_space<hbm>>
        %dma_start3A_361 = tpu.memref_squeeze %dma_start3A_360 : memref<1x1x80xi32, #tpu.memory_space<hbm>> -> memref<80xi32, #tpu.memory_space<hbm>>
        tpu.enqueue_dma source(%dma_start3A_361 : memref<80xi32, #tpu.memory_space<hbm>>) target(%arg15 : memref<80xi32, #tpu.memory_space<vmem>>) target_semaphore(%arg36 : memref<!tpu.dma_semaphore, #tpu.memory_space<semaphore_mem>>)
      } else {
      }
      %mul3A_319 = arith.constant 8 : i32
      %mul3A_320 = arith.muli %scan3A_119, %mul3A_319 : i32
      %add3A_321 = arith.constant 7 : i32
      %add3A_322 = arith.addi %mul3A_320, %add3A_321 : i32
      %dma_wait3A_323 = arith.constant 0 : i32
      %dma_wait3A_324 = arith.constant 0 : i32
      %dma_wait3A_325 = tpu.memref_slice %arg2[%dma_wait3A_323, %dma_wait3A_324] : memref<20000x128xf32, #tpu.memory_space<hbm>> -> memref<20000x128xf32, #tpu.memory_space<hbm>>
      tpu.wait_indirect_dma semaphore(%arg30 : memref<!tpu.dma_semaphore, #tpu.memory_space<semaphore_mem>>) src(%dma_wait3A_325 : memref<20000x128xf32, #tpu.memory_space<hbm>>) dst(%arg25 : memref<80x128xf32, #tpu.memory_space<vmem>>)
      %dma_start3A_326 = arith.constant 0 : i32
      %dma_start3A_327 = arith.constant 0 : i32
      %dma_start3A_328 = tpu.memref_slice %arg26[%dma_start3A_326, %dma_start3A_327] : memref<10240x128xf32, #tpu.memory_space<vmem_shared>> -> memref<10240x128xf32, #tpu.memory_space<vmem_shared>>
      tpu.enqueue_indirect_dma source(%arg25 : memref<80x128xf32, #tpu.memory_space<vmem>>) target(%dma_start3A_328 : memref<10240x128xf32, #tpu.memory_space<vmem_shared>>) offsets(%arg21 : memref<80xi32, #tpu.memory_space<vmem>>) semaphore(%arg34 : memref<!tpu.dma_semaphore, #tpu.memory_space<semaphore_mem>>) {add = true}
      %ge3A_329 = arith.constant 2 : i32
      %ge3A_330 = arith.cmpi sge, %add3A_322, %ge3A_329 : i32
      %convert_element_type3A_331 = arith.extui %ge3A_330 : i1 to i32
      %cond3A_332 = arith.constant 0 : i32
      %cond3A_333 = arith.cmpi ne, %convert_element_type3A_331, %cond3A_332 : i32
      scf.if %cond3A_333 {
        %dma_wait3A_348 = arith.constant 0 : i32
        %dma_wait3A_349 = arith.constant 0 : i32
        %dma_wait3A_350 = tpu.memref_slice %arg26[%dma_wait3A_348, %dma_wait3A_349] : memref<10240x128xf32, #tpu.memory_space<vmem_shared>> -> memref<10240x128xf32, #tpu.memory_space<vmem_shared>>
        tpu.wait_indirect_dma semaphore(%arg32 : memref<!tpu.dma_semaphore, #tpu.memory_space<semaphore_mem>>) src(%arg23 : memref<80x128xf32, #tpu.memory_space<vmem>>) dst(%dma_wait3A_350 : memref<10240x128xf32, #tpu.memory_space<vmem_shared>>)
      } else {
      }
      %add3A_334 = arith.constant 2 : i32
      %add3A_335 = arith.addi %add3A_322, %add3A_334 : i32
      %lt3A_336 = arith.constant 128 : i32
      %lt3A_337 = arith.cmpi slt, %add3A_335, %lt3A_336 : i32
      %convert_element_type3A_338 = arith.extui %lt3A_337 : i1 to i32
      %cond3A_339 = arith.constant 0 : i32
      %cond3A_340 = arith.cmpi ne, %convert_element_type3A_338, %cond3A_339 : i32
      scf.if %cond3A_340 {
        %add3A_348 = arith.constant 2 : i32
        %add3A_349 = arith.addi %add3A_322, %add3A_348 : i32
        %dma_wait3A_350 = arith.constant 0 : i32
        %dma_wait3A_351 = tpu.memref_slice %arg3[%arg0, %arg1, %add3A_349, %dma_wait3A_350] : memref<2x16x128x80xi32, #tpu.memory_space<hbm>> -> memref<1x1x1x80xi32, #tpu.memory_space<hbm>>
        %dma_wait3A_352 = tpu.memref_squeeze %dma_wait3A_351 : memref<1x1x1x80xi32, #tpu.memory_space<hbm>> -> memref<80xi32, #tpu.memory_space<hbm>>
        %dma_wait3A_353 = arith.constant 0 : i32
        %dma_wait3A_354 = tpu.memref_slice %arg3[%arg0, %arg1, %add3A_349, %dma_wait3A_353] : memref<2x16x128x80xi32, #tpu.memory_space<hbm>> -> memref<1x1x1x80xi32, #tpu.memory_space<hbm>>
        %dma_wait3A_355 = tpu.memref_squeeze %dma_wait3A_354 : memref<1x1x1x80xi32, #tpu.memory_space<hbm>> -> memref<80xi32, #tpu.memory_space<hbm>>
        tpu.wait_dma2 semaphore(%arg36 : memref<!tpu.dma_semaphore, #tpu.memory_space<semaphore_mem>>) src(%dma_wait3A_355 : memref<80xi32, #tpu.memory_space<hbm>>) dst(%arg7 : memref<80xi32, #tpu.memory_space<vmem>>)
        %dma_wait3A_356 = arith.constant 0 : i32
        %dma_wait3A_357 = tpu.memref_slice %arg4[%arg1, %add3A_349, %dma_wait3A_356] : memref<16x128x80xi32, #tpu.memory_space<hbm>> -> memref<1x1x80xi32, #tpu.memory_space<hbm>>
        %dma_wait3A_358 = tpu.memref_squeeze %dma_wait3A_357 : memref<1x1x80xi32, #tpu.memory_space<hbm>> -> memref<80xi32, #tpu.memory_space<hbm>>
        %dma_wait3A_359 = arith.constant 0 : i32
        %dma_wait3A_360 = tpu.memref_slice %arg4[%arg1, %add3A_349, %dma_wait3A_359] : memref<16x128x80xi32, #tpu.memory_space<hbm>> -> memref<1x1x80xi32, #tpu.memory_space<hbm>>
        %dma_wait3A_361 = tpu.memref_squeeze %dma_wait3A_360 : memref<1x1x80xi32, #tpu.memory_space<hbm>> -> memref<80xi32, #tpu.memory_space<hbm>>
        tpu.wait_dma2 semaphore(%arg36 : memref<!tpu.dma_semaphore, #tpu.memory_space<semaphore_mem>>) src(%dma_wait3A_361 : memref<80xi32, #tpu.memory_space<hbm>>) dst(%arg15 : memref<80xi32, #tpu.memory_space<vmem>>)
        %dma_start3A_362 = arith.constant 0 : i32
        %dma_start3A_363 = arith.constant 0 : i32
        %dma_start3A_364 = tpu.memref_slice %arg2[%dma_start3A_362, %dma_start3A_363] : memref<20000x128xf32, #tpu.memory_space<hbm>> -> memref<20000x128xf32, #tpu.memory_space<hbm>>
        tpu.enqueue_indirect_dma source(%dma_start3A_364 : memref<20000x128xf32, #tpu.memory_space<hbm>>) target(%arg23 : memref<80x128xf32, #tpu.memory_space<vmem>>) offsets(%arg7 : memref<80xi32, #tpu.memory_space<vmem>>) semaphore(%arg28 : memref<!tpu.dma_semaphore, #tpu.memory_space<semaphore_mem>>)
      } else {
      }
      %add3A_341 = arith.constant 3 : i32
      %add3A_342 = arith.addi %add3A_322, %add3A_341 : i32
      %lt3A_343 = arith.constant 128 : i32
      %lt3A_344 = arith.cmpi slt, %add3A_342, %lt3A_343 : i32
      %convert_element_type3A_345 = arith.extui %lt3A_344 : i1 to i32
      %cond3A_346 = arith.constant 0 : i32
      %cond3A_347 = arith.cmpi ne, %convert_element_type3A_345, %cond3A_346 : i32
      scf.if %cond3A_347 {
        %add3A_348 = arith.constant 3 : i32
        %add3A_349 = arith.addi %add3A_322, %add3A_348 : i32
        %dma_start3A_350 = arith.constant 0 : i32
        %dma_start3A_351 = tpu.memref_slice %arg3[%arg0, %arg1, %add3A_349, %dma_start3A_350] : memref<2x16x128x80xi32, #tpu.memory_space<hbm>> -> memref<1x1x1x80xi32, #tpu.memory_space<hbm>>
        %dma_start3A_352 = tpu.memref_squeeze %dma_start3A_351 : memref<1x1x1x80xi32, #tpu.memory_space<hbm>> -> memref<80xi32, #tpu.memory_space<hbm>>
        %dma_start3A_353 = arith.constant 0 : i32
        %dma_start3A_354 = tpu.memref_slice %arg3[%arg0, %arg1, %add3A_349, %dma_start3A_353] : memref<2x16x128x80xi32, #tpu.memory_space<hbm>> -> memref<1x1x1x80xi32, #tpu.memory_space<hbm>>
        %dma_start3A_355 = tpu.memref_squeeze %dma_start3A_354 : memref<1x1x1x80xi32, #tpu.memory_space<hbm>> -> memref<80xi32, #tpu.memory_space<hbm>>
        tpu.enqueue_dma source(%dma_start3A_355 : memref<80xi32, #tpu.memory_space<hbm>>) target(%arg8 : memref<80xi32, #tpu.memory_space<vmem>>) target_semaphore(%arg37 : memref<!tpu.dma_semaphore, #tpu.memory_space<semaphore_mem>>)
        %dma_start3A_356 = arith.constant 0 : i32
        %dma_start3A_357 = tpu.memref_slice %arg4[%arg1, %add3A_349, %dma_start3A_356] : memref<16x128x80xi32, #tpu.memory_space<hbm>> -> memref<1x1x80xi32, #tpu.memory_space<hbm>>
        %dma_start3A_358 = tpu.memref_squeeze %dma_start3A_357 : memref<1x1x80xi32, #tpu.memory_space<hbm>> -> memref<80xi32, #tpu.memory_space<hbm>>
        %dma_start3A_359 = arith.constant 0 : i32
        %dma_start3A_360 = tpu.memref_slice %arg4[%arg1, %add3A_349, %dma_start3A_359] : memref<16x128x80xi32, #tpu.memory_space<hbm>> -> memref<1x1x80xi32, #tpu.memory_space<hbm>>
        %dma_start3A_361 = tpu.memref_squeeze %dma_start3A_360 : memref<1x1x80xi32, #tpu.memory_space<hbm>> -> memref<80xi32, #tpu.memory_space<hbm>>
        tpu.enqueue_dma source(%dma_start3A_361 : memref<80xi32, #tpu.memory_space<hbm>>) target(%arg16 : memref<80xi32, #tpu.memory_space<vmem>>) target_semaphore(%arg37 : memref<!tpu.dma_semaphore, #tpu.memory_space<semaphore_mem>>)
      } else {
      }
    }
    %scan3A_101 = arith.constant 16 : i32
    %dma_wait3A_102 = arith.constant 0 : i32
    %dma_wait3A_103 = arith.constant 0 : i32
    %dma_wait3A_104 = tpu.memref_slice %arg26[%dma_wait3A_102, %dma_wait3A_103] : memref<10240x128xf32, #tpu.memory_space<vmem_shared>> -> memref<10240x128xf32, #tpu.memory_space<vmem_shared>>
    tpu.wait_indirect_dma semaphore(%arg33 : memref<!tpu.dma_semaphore, #tpu.memory_space<semaphore_mem>>) src(%arg24 : memref<80x128xf32, #tpu.memory_space<vmem>>) dst(%dma_wait3A_104 : memref<10240x128xf32, #tpu.memory_space<vmem_shared>>)
    %dma_wait3A_105 = arith.constant 0 : i32
    %dma_wait3A_106 = arith.constant 0 : i32
    %dma_wait3A_107 = tpu.memref_slice %arg26[%dma_wait3A_105, %dma_wait3A_106] : memref<10240x128xf32, #tpu.memory_space<vmem_shared>> -> memref<10240x128xf32, #tpu.memory_space<vmem_shared>>
    tpu.wait_indirect_dma semaphore(%arg34 : memref<!tpu.dma_semaphore, #tpu.memory_space<semaphore_mem>>) src(%arg25 : memref<80x128xf32, #tpu.memory_space<vmem>>) dst(%dma_wait3A_107 : memref<10240x128xf32, #tpu.memory_space<vmem_shared>>)
    %barrier3A_108 = arith.constant 0 : index
    tpu.barrier barrier_id(%barrier3A_108)
    %add3A_109 = arith.constant 0 : i32
    %add3A_110 = arith.addi %mul3A_47, %add3A_109 : i32
    "tpu.region"() ({
      %run_scoped3A = tpu.sem_alloc : memref<!tpu.dma_semaphore, #tpu.memory_space<semaphore_mem>>
      %dma_start3A_119 = arith.constant 0 : i32
      %dma_start3A_120 = tpu.memref_slice %arg5[%arg0, %add3A_110, %dma_start3A_119] : memref<2x10240x128xf32, #tpu.memory_space<hbm>> -> memref<1x128x128xf32, #tpu.memory_space<hbm>>
      %dma_start3A_121 = tpu.memref_squeeze %dma_start3A_120 : memref<1x128x128xf32, #tpu.memory_space<hbm>> -> memref<128x128xf32, #tpu.memory_space<hbm>>
      %dma_start3A_122 = arith.constant 0 : i32
      %dma_start3A_123 = tpu.memref_slice %arg26[%add3A_110, %dma_start3A_122] : memref<10240x128xf32, #tpu.memory_space<vmem_shared>> -> memref<128x128xf32, #tpu.memory_space<vmem_shared>>
      tpu.enqueue_dma source(%dma_start3A_123 : memref<128x128xf32, #tpu.memory_space<vmem_shared>>) target(%dma_start3A_121 : memref<128x128xf32, #tpu.memory_space<hbm>>) target_semaphore(%run_scoped3A : memref<!tpu.dma_semaphore, #tpu.memory_space<semaphore_mem>>)
      %dma_wait3A_124 = arith.constant 0 : i32
      %dma_wait3A_125 = tpu.memref_slice %arg5[%arg0, %add3A_110, %dma_wait3A_124] : memref<2x10240x128xf32, #tpu.memory_space<hbm>> -> memref<1x128x128xf32, #tpu.memory_space<hbm>>
      %dma_wait3A_126 = tpu.memref_squeeze %dma_wait3A_125 : memref<1x128x128xf32, #tpu.memory_space<hbm>> -> memref<128x128xf32, #tpu.memory_space<hbm>>
      %dma_wait3A_127 = arith.constant 0 : i32
      %dma_wait3A_128 = tpu.memref_slice %arg26[%add3A_110, %dma_wait3A_127] : memref<10240x128xf32, #tpu.memory_space<vmem_shared>> -> memref<128x128xf32, #tpu.memory_space<vmem_shared>>
      tpu.wait_dma2 semaphore(%run_scoped3A : memref<!tpu.dma_semaphore, #tpu.memory_space<semaphore_mem>>) src(%dma_wait3A_128 : memref<128x128xf32, #tpu.memory_space<vmem_shared>>) dst(%dma_wait3A_126 : memref<128x128xf32, #tpu.memory_space<hbm>>)
      tpu.yield
    }) : () -> ()
    %add3A_111 = arith.constant 128 : i32
    %add3A_112 = arith.addi %mul3A_47, %add3A_111 : i32
    "tpu.region"() ({
      %run_scoped3A = tpu.sem_alloc : memref<!tpu.dma_semaphore, #tpu.memory_space<semaphore_mem>>
      %dma_start3A_119 = arith.constant 0 : i32
      %dma_start3A_120 = tpu.memref_slice %arg5[%arg0, %add3A_112, %dma_start3A_119] : memref<2x10240x128xf32, #tpu.memory_space<hbm>> -> memref<1x128x128xf32, #tpu.memory_space<hbm>>
      %dma_start3A_121 = tpu.memref_squeeze %dma_start3A_120 : memref<1x128x128xf32, #tpu.memory_space<hbm>> -> memref<128x128xf32, #tpu.memory_space<hbm>>
      %dma_start3A_122 = arith.constant 0 : i32
      %dma_start3A_123 = tpu.memref_slice %arg26[%add3A_112, %dma_start3A_122] : memref<10240x128xf32, #tpu.memory_space<vmem_shared>> -> memref<128x128xf32, #tpu.memory_space<vmem_shared>>
      tpu.enqueue_dma source(%dma_start3A_123 : memref<128x128xf32, #tpu.memory_space<vmem_shared>>) target(%dma_start3A_121 : memref<128x128xf32, #tpu.memory_space<hbm>>) target_semaphore(%run_scoped3A : memref<!tpu.dma_semaphore, #tpu.memory_space<semaphore_mem>>)
      %dma_wait3A_124 = arith.constant 0 : i32
      %dma_wait3A_125 = tpu.memref_slice %arg5[%arg0, %add3A_112, %dma_wait3A_124] : memref<2x10240x128xf32, #tpu.memory_space<hbm>> -> memref<1x128x128xf32, #tpu.memory_space<hbm>>
      %dma_wait3A_126 = tpu.memref_squeeze %dma_wait3A_125 : memref<1x128x128xf32, #tpu.memory_space<hbm>> -> memref<128x128xf32, #tpu.memory_space<hbm>>
      %dma_wait3A_127 = arith.constant 0 : i32
      %dma_wait3A_128 = tpu.memref_slice %arg26[%add3A_112, %dma_wait3A_127] : memref<10240x128xf32, #tpu.memory_space<vmem_shared>> -> memref<128x128xf32, #tpu.memory_space<vmem_shared>>
      tpu.wait_dma2 semaphore(%run_scoped3A : memref<!tpu.dma_semaphore, #tpu.memory_space<semaphore_mem>>) src(%dma_wait3A_128 : memref<128x128xf32, #tpu.memory_space<vmem_shared>>) dst(%dma_wait3A_126 : memref<128x128xf32, #tpu.memory_space<hbm>>)
      tpu.yield
    }) : () -> ()
    %add3A_113 = arith.constant 256 : i32
    %add3A_114 = arith.addi %mul3A_47, %add3A_113 : i32
    "tpu.region"() ({
      %run_scoped3A = tpu.sem_alloc : memref<!tpu.dma_semaphore, #tpu.memory_space<semaphore_mem>>
      %dma_start3A_119 = arith.constant 0 : i32
      %dma_start3A_120 = tpu.memref_slice %arg5[%arg0, %add3A_114, %dma_start3A_119] : memref<2x10240x128xf32, #tpu.memory_space<hbm>> -> memref<1x128x128xf32, #tpu.memory_space<hbm>>
      %dma_start3A_121 = tpu.memref_squeeze %dma_start3A_120 : memref<1x128x128xf32, #tpu.memory_space<hbm>> -> memref<128x128xf32, #tpu.memory_space<hbm>>
      %dma_start3A_122 = arith.constant 0 : i32
      %dma_start3A_123 = tpu.memref_slice %arg26[%add3A_114, %dma_start3A_122] : memref<10240x128xf32, #tpu.memory_space<vmem_shared>> -> memref<128x128xf32, #tpu.memory_space<vmem_shared>>
      tpu.enqueue_dma source(%dma_start3A_123 : memref<128x128xf32, #tpu.memory_space<vmem_shared>>) target(%dma_start3A_121 : memref<128x128xf32, #tpu.memory_space<hbm>>) target_semaphore(%run_scoped3A : memref<!tpu.dma_semaphore, #tpu.memory_space<semaphore_mem>>)
      %dma_wait3A_124 = arith.constant 0 : i32
      %dma_wait3A_125 = tpu.memref_slice %arg5[%arg0, %add3A_114, %dma_wait3A_124] : memref<2x10240x128xf32, #tpu.memory_space<hbm>> -> memref<1x128x128xf32, #tpu.memory_space<hbm>>
      %dma_wait3A_126 = tpu.memref_squeeze %dma_wait3A_125 : memref<1x128x128xf32, #tpu.memory_space<hbm>> -> memref<128x128xf32, #tpu.memory_space<hbm>>
      %dma_wait3A_127 = arith.constant 0 : i32
      %dma_wait3A_128 = tpu.memref_slice %arg26[%add3A_114, %dma_wait3A_127] : memref<10240x128xf32, #tpu.memory_space<vmem_shared>> -> memref<128x128xf32, #tpu.memory_space<vmem_shared>>
      tpu.wait_dma2 semaphore(%run_scoped3A : memref<!tpu.dma_semaphore, #tpu.memory_space<semaphore_mem>>) src(%dma_wait3A_128 : memref<128x128xf32, #tpu.memory_space<vmem_shared>>) dst(%dma_wait3A_126 : memref<128x128xf32, #tpu.memory_space<hbm>>)
      tpu.yield
    }) : () -> ()
    %add3A_115 = arith.constant 384 : i32
    %add3A_116 = arith.addi %mul3A_47, %add3A_115 : i32
    "tpu.region"() ({
      %run_scoped3A = tpu.sem_alloc : memref<!tpu.dma_semaphore, #tpu.memory_space<semaphore_mem>>
      %dma_start3A_119 = arith.constant 0 : i32
      %dma_start3A_120 = tpu.memref_slice %arg5[%arg0, %add3A_116, %dma_start3A_119] : memref<2x10240x128xf32, #tpu.memory_space<hbm>> -> memref<1x128x128xf32, #tpu.memory_space<hbm>>
      %dma_start3A_121 = tpu.memref_squeeze %dma_start3A_120 : memref<1x128x128xf32, #tpu.memory_space<hbm>> -> memref<128x128xf32, #tpu.memory_space<hbm>>
      %dma_start3A_122 = arith.constant 0 : i32
      %dma_start3A_123 = tpu.memref_slice %arg26[%add3A_116, %dma_start3A_122] : memref<10240x128xf32, #tpu.memory_space<vmem_shared>> -> memref<128x128xf32, #tpu.memory_space<vmem_shared>>
      tpu.enqueue_dma source(%dma_start3A_123 : memref<128x128xf32, #tpu.memory_space<vmem_shared>>) target(%dma_start3A_121 : memref<128x128xf32, #tpu.memory_space<hbm>>) target_semaphore(%run_scoped3A : memref<!tpu.dma_semaphore, #tpu.memory_space<semaphore_mem>>)
      %dma_wait3A_124 = arith.constant 0 : i32
      %dma_wait3A_125 = tpu.memref_slice %arg5[%arg0, %add3A_116, %dma_wait3A_124] : memref<2x10240x128xf32, #tpu.memory_space<hbm>> -> memref<1x128x128xf32, #tpu.memory_space<hbm>>
      %dma_wait3A_126 = tpu.memref_squeeze %dma_wait3A_125 : memref<1x128x128xf32, #tpu.memory_space<hbm>> -> memref<128x128xf32, #tpu.memory_space<hbm>>
      %dma_wait3A_127 = arith.constant 0 : i32
      %dma_wait3A_128 = tpu.memref_slice %arg26[%add3A_116, %dma_wait3A_127] : memref<10240x128xf32, #tpu.memory_space<vmem_shared>> -> memref<128x128xf32, #tpu.memory_space<vmem_shared>>
      tpu.wait_dma2 semaphore(%run_scoped3A : memref<!tpu.dma_semaphore, #tpu.memory_space<semaphore_mem>>) src(%dma_wait3A_128 : memref<128x128xf32, #tpu.memory_space<vmem_shared>>) dst(%dma_wait3A_126 : memref<128x128xf32, #tpu.memory_space<hbm>>)
      tpu.yield
    }) : () -> ()
    %add3A_117 = arith.constant 512 : i32
    %add3A_118 = arith.addi %mul3A_47, %add3A_117 : i32
    "tpu.region"() ({
      %run_scoped3A = tpu.sem_alloc : memref<!tpu.dma_semaphore, #tpu.memory_space<semaphore_mem>>
      %dma_start3A_119 = arith.constant 0 : i32
      %dma_start3A_120 = tpu.memref_slice %arg5[%arg0, %add3A_118, %dma_start3A_119] : memref<2x10240x128xf32, #tpu.memory_space<hbm>> -> memref<1x128x128xf32, #tpu.memory_space<hbm>>
      %dma_start3A_121 = tpu.memref_squeeze %dma_start3A_120 : memref<1x128x128xf32, #tpu.memory_space<hbm>> -> memref<128x128xf32, #tpu.memory_space<hbm>>
      %dma_start3A_122 = arith.constant 0 : i32
      %dma_start3A_123 = tpu.memref_slice %arg26[%add3A_118, %dma_start3A_122] : memref<10240x128xf32, #tpu.memory_space<vmem_shared>> -> memref<128x128xf32, #tpu.memory_space<vmem_shared>>
      tpu.enqueue_dma source(%dma_start3A_123 : memref<128x128xf32, #tpu.memory_space<vmem_shared>>) target(%dma_start3A_121 : memref<128x128xf32, #tpu.memory_space<hbm>>) target_semaphore(%run_scoped3A : memref<!tpu.dma_semaphore, #tpu.memory_space<semaphore_mem>>)
      %dma_wait3A_124 = arith.constant 0 : i32
      %dma_wait3A_125 = tpu.memref_slice %arg5[%arg0, %add3A_118, %dma_wait3A_124] : memref<2x10240x128xf32, #tpu.memory_space<hbm>> -> memref<1x128x128xf32, #tpu.memory_space<hbm>>
      %dma_wait3A_126 = tpu.memref_squeeze %dma_wait3A_125 : memref<1x128x128xf32, #tpu.memory_space<hbm>> -> memref<128x128xf32, #tpu.memory_space<hbm>>
      %dma_wait3A_127 = arith.constant 0 : i32
      %dma_wait3A_128 = tpu.memref_slice %arg26[%add3A_118, %dma_wait3A_127] : memref<10240x128xf32, #tpu.memory_space<vmem_shared>> -> memref<128x128xf32, #tpu.memory_space<vmem_shared>>
      tpu.wait_dma2 semaphore(%run_scoped3A : memref<!tpu.dma_semaphore, #tpu.memory_space<semaphore_mem>>) src(%dma_wait3A_128 : memref<128x128xf32, #tpu.memory_space<vmem_shared>>) dst(%dma_wait3A_126 : memref<128x128xf32, #tpu.memory_space<hbm>>)
      tpu.yield
    }) : () -> ()
    return
  }
}

module attributes {stable_mosaic.version = 14 : i64} {
  func.func @_deg_body(%arg0: i32, %arg1: memref<1x1x4096xi32, #tpu.memory_space<vmem>>, %arg2: memref<80x128xf32, #tpu.memory_space<vmem>>) attributes {dimension_semantics = [#tpu.dimension_semantics<arbitrary>], iteration_bounds = array<i64: 40>, scalar_prefetch = 0 : i64, scratch_operands = 0 : i64, tpu.core_type = #tpu.core_type<tc>, window_params = [{transform_indices = @transform_0, window_bounds = array<i64: 1, 1, 4096>}, {pipeline_mode = #tpu.pipeline_mode<synchronous>, transform_indices = @transform_1, window_bounds = array<i64: 80, 128>}]} {
    %get3A = arith.constant 0 : index
    %get3A_0 = arith.constant 0 : index
    %get3A_1 = arith.constant 0 : index
    %get3A_2 = vector.load %arg1[%get3A, %get3A_0, %get3A_1] : memref<1x1x4096xi32, #tpu.memory_space<vmem>>, vector<1x1x4096xi32>
    %get3A_3 = vector.shape_cast %get3A_2 : vector<1x1x4096xi32> to vector<4096xi32>
    %broadcast_in_dim3A = vector.shape_cast %get3A_3 : vector<4096xi32> to vector<4096x1xi32>
    %shift_right_logical3A = arith.constant 7 : i32
    %shift_right_logical3A_4 = vector.broadcast %shift_right_logical3A : i32 to vector<4096x1xi32>
    %shift_right_logical3A_5 = arith.shrui %broadcast_in_dim3A, %shift_right_logical3A_4 : vector<4096x1xi32>
    %and3A = arith.constant 127 : i32
    %and3A_6 = vector.broadcast %and3A : i32 to vector<4096x1xi32>
    %and3A_7 = arith.andi %broadcast_in_dim3A, %and3A_6 : vector<4096x1xi32>
    %iota3A = tpu.iota {dimensions = array<i32: 1>} : vector<1x80xi32>
    %eq3A = vector.broadcast %shift_right_logical3A_5 : vector<4096x1xi32> to vector<4096x80xi32>
    %eq3A_8 = vector.broadcast %iota3A : vector<1x80xi32> to vector<4096x80xi32>
    %eq3A_9 = arith.cmpi eq, %eq3A, %eq3A_8 : vector<4096x80xi32>
    %iota3A_10 = tpu.iota {dimensions = array<i32: 1>} : vector<1x128xi32>
    %eq3A_11 = vector.broadcast %and3A_7 : vector<4096x1xi32> to vector<4096x128xi32>
    %eq3A_12 = vector.broadcast %iota3A_10 : vector<1x128xi32> to vector<4096x128xi32>
    %eq3A_13 = arith.cmpi eq, %eq3A_11, %eq3A_12 : vector<4096x128xi32>
    %convert_element_type3A = arith.extui %eq3A_9 : vector<4096x80xi1> to vector<4096x80xi32>
    %convert_element_type3A_14 = arith.sitofp %convert_element_type3A : vector<4096x80xi32> to vector<4096x80xf32>
    %convert_element_type3A_15 = arith.extui %eq3A_13 : vector<4096x128xi1> to vector<4096x128xi32>
    %convert_element_type3A_16 = arith.sitofp %convert_element_type3A_15 : vector<4096x128xi32> to vector<4096x128xf32>
    %dot_general3A = arith.constant dense<0.000000e+00> : vector<80x128xf32>
    %dot_general3A_17 = tpu.matmul %convert_element_type3A_14, %convert_element_type3A_16, %dot_general3A {dimension_numbers = #tpu.dot_dimension_numbers<[0], [0], [1], [1], [0, 1, 1, 1], [], []>, transpose_lhs_hint = false} : vector<4096x80xf32>, vector<4096x128xf32>, vector<80x128xf32> -> vector<80x128xf32>
    %eq3A_18 = arith.constant 0 : i32
    %eq3A_19 = arith.cmpi eq, %arg0, %eq3A_18 : i32
    %convert_element_type3A_20 = arith.extui %eq3A_19 : i1 to i32
    %cond3A = arith.constant 0 : i32
    %cond3A_21 = arith.cmpi ne, %convert_element_type3A_20, %cond3A : i32
    scf.if %cond3A_21 {
      %broadcast_in_dim3A_27 = arith.constant 0.000000e+00 : f32
      %broadcast_in_dim3A_28 = vector.broadcast %broadcast_in_dim3A_27 : f32 to vector<80x128xf32>
      %swap3A_29 = arith.constant 0 : index
      %swap3A_30 = arith.constant 0 : index
      %swap3A_31 = vector.load %arg2[%swap3A_29, %swap3A_30] : memref<80x128xf32, #tpu.memory_space<vmem>>, vector<80x128xf32>
      tpu.vector_store %arg2[%swap3A_29, %swap3A_30], %broadcast_in_dim3A_28 {strides = array<i32>} : memref<80x128xf32, #tpu.memory_space<vmem>>, vector<80x128xf32>,
    } else {
    }
    %get3A_22 = arith.constant 0 : index
    %get3A_23 = arith.constant 0 : index
    %get3A_24 = vector.load %arg2[%get3A_22, %get3A_23] : memref<80x128xf32, #tpu.memory_space<vmem>>, vector<80x128xf32>
    %add3A = arith.addf %get3A_24, %dot_general3A_17 : vector<80x128xf32>
    %swap3A = arith.constant 0 : index
    %swap3A_25 = arith.constant 0 : index
    %swap3A_26 = vector.load %arg2[%swap3A, %swap3A_25] : memref<80x128xf32, #tpu.memory_space<vmem>>, vector<80x128xf32>
    tpu.vector_store %arg2[%swap3A, %swap3A_25], %add3A {strides = array<i32>} : memref<80x128xf32, #tpu.memory_space<vmem>>, vector<80x128xf32>,
    return
  }
  func.func @transform_0(%arg0: i32) -> (i32, i32, i32) {
    %c0_i32 = arith.constant 0 : i32
    %c0_i32_0 = arith.constant 0 : i32
    %c0_i32_1 = arith.constant 0 : i32
    return %arg0, %c0_i32, %c0_i32_0 : i32, i32, i32
  }
  func.func @transform_1(%arg0: i32) -> (i32, i32) {
    %c0_i32 = arith.constant 0 : i32
    %c0_i32_0 = arith.constant 0 : i32
    %c0_i32_1 = arith.constant 0 : i32
    return %c0_i32, %c0_i32_0 : i32, i32
  }
}

module attributes {stable_mosaic.version = 14 : i64} {
  func.func @_dense_body(%arg0: i32, %arg1: memref<1x400x128xf32, #tpu.memory_space<vmem>>, %arg2: memref<1x400x128xf32, #tpu.memory_space<vmem>>, %arg3: memref<400x1xf32, #tpu.memory_space<vmem>>, %arg4: memref<400x256xf32, #tpu.memory_space<vmem>>, %arg5: memref<256x512xf32, #tpu.memory_space<vmem>>, %arg6: memref<400x256xf32, #tpu.memory_space<vmem>>) attributes {dimension_semantics = [#tpu.dimension_semantics<arbitrary>], iteration_bounds = array<i64: 25>, scalar_prefetch = 0 : i64, scratch_operands = 0 : i64, tpu.core_type = #tpu.core_type<tc>, window_params = [{transform_indices = @transform_0, window_bounds = array<i64: 1, 400, 128>}, {transform_indices = @transform_1, window_bounds = array<i64: 1, 400, 128>}, {transform_indices = @transform_2, window_bounds = array<i64: 400, 1>}, {transform_indices = @transform_3, window_bounds = array<i64: 400, 256>}, {pipeline_mode = #tpu.pipeline_mode<synchronous>, transform_indices = @transform_4, window_bounds = array<i64: 256, 512>}, {transform_indices = @transform_5, window_bounds = array<i64: 400, 256>}]} {
    %get3A = arith.constant 0 : index
    %get3A_0 = arith.constant 0 : index
    %get3A_1 = vector.load %arg3[%get3A, %get3A_0] : memref<400x1xf32, #tpu.memory_space<vmem>>, vector<400x1xf32>
    %eq3A = arith.constant 0.000000e+00 : f32
    %eq3A_2 = vector.broadcast %eq3A : f32 to vector<400x1xf32>
    %eq3A_3 = arith.cmpf oeq, %get3A_1, %eq3A_2 : vector<400x1xf32>
    %div3A = arith.constant 1.000000e+00 : f32
    %div3A_4 = vector.broadcast %div3A : f32 to vector<400x1xf32>
    %div3A_5 = arith.divf %div3A_4, %get3A_1 : vector<400x1xf32>
    %jit3A = arith.constant 1.000000e+00 : f32
    %broadcast_in_dim3A = vector.broadcast %jit3A : f32 to vector<400x1xf32>
    %select_n3A = arith.select %eq3A_3, %broadcast_in_dim3A, %div3A_5 : vector<400x1xi1>, vector<400x1xf32>
    %get3A_6 = arith.constant 0 : index
    %get3A_7 = arith.constant 0 : index
    %get3A_8 = arith.constant 0 : index
    %get3A_9 = vector.load %arg1[%get3A_6, %get3A_7, %get3A_8] : memref<1x400x128xf32, #tpu.memory_space<vmem>>, vector<1x400x128xf32>
    %get3A_10 = vector.shape_cast %get3A_9 : vector<1x400x128xf32> to vector<400x128xf32>
    %mul3A = vector.broadcast %select_n3A : vector<400x1xf32> to vector<400x128xf32>
    %mul3A_11 = arith.mulf %get3A_10, %mul3A : vector<400x128xf32>
    %get3A_12 = arith.constant 0 : index
    %get3A_13 = arith.constant 0 : index
    %get3A_14 = vector.load %arg5[%get3A_12, %get3A_13] : memref<256x512xf32, #tpu.memory_space<vmem>>, vector<256x128xf32>
    %dot_general3A = arith.constant dense<0.000000e+00> : vector<400x256xf32>
    %dot_general3A_15 = tpu.matmul %mul3A_11, %get3A_14, %dot_general3A {dimension_numbers = #tpu.dot_dimension_numbers<[1], [1], [0], [0], [0, 0, 1, 0], [], []>, transpose_lhs_hint = false} : vector<400x128xf32>, vector<256x128xf32>, vector<400x256xf32> -> vector<400x256xf32>
    %get3A_16 = arith.constant 0 : index
    %get3A_17 = arith.constant 0 : index
    %get3A_18 = arith.constant 0 : index
    %get3A_19 = vector.load %arg2[%get3A_16, %get3A_17, %get3A_18] : memref<1x400x128xf32, #tpu.memory_space<vmem>>, vector<1x400x128xf32>
    %get3A_20 = vector.shape_cast %get3A_19 : vector<1x400x128xf32> to vector<400x128xf32>
    %mul3A_21 = vector.broadcast %select_n3A : vector<400x1xf32> to vector<400x128xf32>
    %mul3A_22 = arith.mulf %get3A_20, %mul3A_21 : vector<400x128xf32>
    %get3A_23 = arith.constant 0 : index
    %get3A_24 = arith.constant 128 : index
    %get3A_25 = vector.load %arg5[%get3A_23, %get3A_24] : memref<256x512xf32, #tpu.memory_space<vmem>>, vector<256x128xf32>
    %dot_general3A_26 = arith.constant dense<0.000000e+00> : vector<400x256xf32>
    %dot_general3A_27 = tpu.matmul %mul3A_22, %get3A_25, %dot_general3A_26 {dimension_numbers = #tpu.dot_dimension_numbers<[1], [1], [0], [0], [0, 0, 1, 0], [], []>, transpose_lhs_hint = false} : vector<400x128xf32>, vector<256x128xf32>, vector<400x256xf32> -> vector<400x256xf32>
    %add3A = arith.addf %dot_general3A_15, %dot_general3A_27 : vector<400x256xf32>
    %get3A_28 = arith.constant 0 : index
    %get3A_29 = arith.constant 0 : index
    %get3A_30 = vector.load %arg4[%get3A_28, %get3A_29] : memref<400x256xf32, #tpu.memory_space<vmem>>, vector<400x256xf32>
    %get3A_31 = arith.constant 0 : index
    %get3A_32 = arith.constant 256 : index
    %get3A_33 = vector.load %arg5[%get3A_31, %get3A_32] : memref<256x512xf32, #tpu.memory_space<vmem>>, vector<256x256xf32>
    %dot_general3A_34 = arith.constant dense<0.000000e+00> : vector<400x256xf32>
    %dot_general3A_35 = tpu.matmul %get3A_30, %get3A_33, %dot_general3A_34 {dimension_numbers = #tpu.dot_dimension_numbers<[1], [1], [0], [0], [0, 0, 1, 0], [], []>, transpose_lhs_hint = false} : vector<400x256xf32>, vector<256x256xf32>, vector<400x256xf32> -> vector<400x256xf32>
    %add3A_36 = arith.addf %add3A, %dot_general3A_35 : vector<400x256xf32>
    %max3A = arith.constant 0.000000e+00 : f32
    %max3A_37 = vector.broadcast %max3A : f32 to vector<400x256xf32>
    %max3A_38 = arith.maximumf %add3A_36, %max3A_37 : vector<400x256xf32>
    %mul3A_39 = arith.mulf %max3A_38, %max3A_38 : vector<400x256xf32>
    %reduce_sum3A = arith.constant dense<0.000000e+00> : vector<400xf32>
    %reduce_sum3A_40 = vector.multi_reduction <add>, %mul3A_39, %reduce_sum3A [1] : vector<400x256xf32> to vector<400xf32>
    %broadcast_in_dim3A_41 = vector.shape_cast %reduce_sum3A_40 : vector<400xf32> to vector<400x1xf32>
    %sqrt3A = math.sqrt %broadcast_in_dim3A_41 : vector<400x1xf32>
    %max3A_42 = arith.constant 9.99999996E-13 : f32
    %max3A_43 = vector.broadcast %max3A_42 : f32 to vector<400x1xf32>
    %max3A_44 = arith.maximumf %sqrt3A, %max3A_43 : vector<400x1xf32>
    %div3A_45 = vector.broadcast %max3A_44 : vector<400x1xf32> to vector<400x256xf32>
    %div3A_46 = arith.divf %max3A_38, %div3A_45 : vector<400x256xf32>
    %swap3A = arith.constant 0 : index
    %swap3A_47 = arith.constant 0 : index
    %swap3A_48 = vector.load %arg6[%swap3A, %swap3A_47] : memref<400x256xf32, #tpu.memory_space<vmem>>, vector<400x256xf32>
    tpu.vector_store %arg6[%swap3A, %swap3A_47], %div3A_46 {strides = array<i32>} : memref<400x256xf32, #tpu.memory_space<vmem>>, vector<400x256xf32>,
    return
  }
  func.func @transform_0(%arg0: i32) -> (i32, i32, i32) {
    %c0_i32 = arith.constant 0 : i32
    %c0_i32_0 = arith.constant 0 : i32
    %c0_i32_1 = arith.constant 0 : i32
    return %c0_i32, %arg0, %c0_i32_0 : i32, i32, i32
  }
  func.func @transform_1(%arg0: i32) -> (i32, i32, i32) {
    %c1_i32 = arith.constant 1 : i32
    %c0_i32 = arith.constant 0 : i32
    %c0_i32_0 = arith.constant 0 : i32
    return %c1_i32, %arg0, %c0_i32 : i32, i32, i32
  }
  func.func @transform_2(%arg0: i32) -> (i32, i32) {
    %c0_i32 = arith.constant 0 : i32
    %c0_i32_0 = arith.constant 0 : i32
    return %arg0, %c0_i32 : i32, i32
  }
  func.func @transform_3(%arg0: i32) -> (i32, i32) {
    %c0_i32 = arith.constant 0 : i32
    %c0_i32_0 = arith.constant 0 : i32
    return %arg0, %c0_i32 : i32, i32
  }
  func.func @transform_4(%arg0: i32) -> (i32, i32) {
    %c0_i32 = arith.constant 0 : i32
    %c0_i32_0 = arith.constant 0 : i32
    %c0_i32_1 = arith.constant 0 : i32
    return %c0_i32, %c0_i32_0 : i32, i32
  }
  func.func @transform_5(%arg0: i32) -> (i32, i32) {
    %c0_i32 = arith.constant 0 : i32
    %c0_i32_0 = arith.constant 0 : i32
    return %arg0, %c0_i32 : i32, i32
  }
}

</mosaic_0001>

<sc_bundles>
// kernel: kernel.5.cloned.1.call-start
scs
__scs_entry_jumppad:
0x0: {  	(pc) =	sbr.rel $0x88, $3  }
0x1: {  	(tag) =	ssettag $0x0;
	lr =	simm.s32 $0x1  }
0x2: {  	[smem:$0x3F9E] =	sst lr;
	_ =	strace $0xD0000000  }
0x3: {  	_ = 	snop  }
0x4: {  	_ = 	snop  }
0x5: {  	_ = 	snop  }
0x6: {  	_ = 	snop  }
0x7: {  	_ = 	snop  }
__scs_overlays_trampoline_lowered:
0x8: {  	[smem:$0x3FAD] =	sst s0  }
0x9: {  	[smem:$0x3FAE] =	sst s1  }
0xa: {  	[smem:$0x3FAF] =	sst s2  }
0xb: {  	[smem:$0x3FB0] =	sst s3  }
0xc: {  	[smem:$0x3FB1] =	sst s4  }
0xd: {  	[smem:$0x3FB2] =	sst s5  }
0xe: {  	[smem:$0x3FB3] =	sst s6  }
0xf: {  	[smem:$0x3FB4] =	sst s7  }
0x10: {  	[smem:$0x3FB5] =	sst s8  }
0x11: {  	[smem:$0x3FB6] =	sst s9;
	s0 =	simm.s32 @!p0 $0x0  }
0x12: {  	s1 =	sld [smem:$0x3F9C];
	s0 =	simm.s32 @p0 $0x1  }
0x13: {  	[smem:$0x3FB7] =	sst s0;
	s0 =	simm.s32 @!p1 $0x0  }
0x14: {  	s2 =	sld [smem:$0x3F9B];
	s0 =	simm.s32 @p1 $0x1  }
0x15: {  	[smem:$0x3FB8] =	sst s0;
	s0 =	simm.s32 @!p2 $0x0  }
0x16: {  	s3 =	sld [smem:$0x3FDB];
	s0 =	simm.s32 @p2 $0x1  }
0x17: {  	s4 =	simm.s32 $0x1BF5;
	[smem:$0x3FBA] =	sst s0  }
0x18: {  	s0 =	sld [smem:$0x3F9D];
	_ =	swait.ge [sflag:s4], $0x0  }
0x19: {  	s7 =	sld [smem:$0x3F9E]  }
0x1a: {  	s8 =	sadd.s32 $0xFFFFE003, lr  }
0x1b: {  	s9 =	sadd.s32 $0xFFFFFEF7, lr;
	s5 =	simm.s32 $0xFFFFFFFF;
	p2 =	slt.u32 s8, $0xFFFFF086  }
0x1c: {  	p1 =	slt.u32 s9, $0xF7A;
	s5 =	simm.s32 @!p2 $0x0  }
0x1d: {  	s5 =	simm.s32 @p1 $0x1;
	p0 =	seq.s32 s7, s2  }
0x1e: {  	s7 =	smul.u32 @!p0 $0xF7A, s2;
	p2 =	seq.s32 @!p0 s5, $0x0  }
0x1f: {  	s9 =	smul.u32 $0xF7A, s1;
	s8 =	simm.s32 @!p0 $0x1BF5;
	p2 =	por !p2, p0  }
0x20: {  	[sflag:s8] =	ssyncset.s32 @!p0 $0xFFFFF086;
	s6 =	sadd.s32 @!p0 s3, s7;
	s7 =	simm.s32 @!p0 $0x108  }
0x21: {  	s3 =	sadd.s32 s3, s9;
	s6 =	sadd.s32 @!p0 $0x88, s6;
	s7 =	simm.s32 @p2 $0x1082  }
0x22: {  	[simem:s7], [sflag:s8] =	dma.local @!p0 [hbm:s6], $0xF7A  }
0x23: {  	s9 =	sor.u32 $0xD0000000, s2;
	s6 =	simm.s32 $0x108;
	_ =	swait.ge @!p0 [sflag:s8], $0x0  }
0x24: {  	s3 =	sadd.s32 $0x88, s3;
	s6 =	simm.s32 @!p1 $0x1082;
	[sflag:s4] =	ssyncset.s32 $0xFFFFF086  }
0x25: {  	[simem:s6], [sflag:s4] =	dma.local [hbm:s3], $0xF7A  }
0x26: {  	[smem:$0x3F9E] =	sst s1;
	(tag) =	ssettag s2;
	_ =	strace s9  }
0x27: {  	s1 =	sld [smem:$0x3FAE]  }
0x28: {  	s2 =	sld [smem:$0x3FAF]  }
0x29: {  	s4 =	sld [smem:$0x3FB1]  }
0x2a: {  	p0 =	seq.s32 s5, $0x0;
	s5 =	sld [smem:$0x3FB2]  }
0x2b: {  	s6 =	sld [smem:$0x3FB3]  }
0x2c: {  	s7 =	sld [smem:$0x3FB4]  }
0x2d: {  	s3 =	simm.s32 $0x108;
	s8 =	sld [smem:$0x3FB5]  }
0x2e: {  	s3 =	simm.s32 @!p0 $0x1082;
	s9 =	sld [smem:$0x3FB6]  }
0x2f: {  	lr =	sadd.s32 s0, s3;
	s0 =	sld [smem:$0x3FAD]  }
0x30: {  	s3 =	sld [smem:$0x3FB0]  }
0x31: {  	[smem:$0x3FB9] =	sst s10  }
0x32: {  	s10 =	sld [smem:$0x3FB7];
	_ =	sdelay $0x3  }
0x33: {  	p0 =	seq.s32 s10, $0x1;
	s10 =	sld [smem:$0x3FB9];
	_ =	sdelay $0x3  }
0x34: {  	[smem:$0x3FB9] =	sst s10  }
0x35: {  	s10 =	sld [smem:$0x3FB8];
	_ =	sdelay $0x3  }
0x36: {  	p1 =	seq.s32 s10, $0x1;
	s10 =	sld [smem:$0x3FB9];
	_ =	sdelay $0x3  }
0x37: {  	[smem:$0x3FB9] =	sst s10  }
0x38: {  	s10 =	sld [smem:$0x3FBA]  }
0x39: {  	_ = 	snop;
	(pc) =	sbr.ind lr, $3  }
0x3a: {  	_ = 	snop  }
0x3b: {  	_ = 	snop  }
0x3c: {  	p2 =	seq.s32 s10, $0x1;
	s10 =	sld [smem:$0x3FB9]  }
0x3d: {  	_ =	shalt  }
0x3e: {  	_ =	shalt  }
0x3f: {  	_ =	shalt  }
0x40: {  	_ =	shalt  }
0x41: {  	_ =	shalt  }
0x42: {  	_ =	shalt  }
0x43: {  	_ =	shalt  }
0x44: {  	_ =	shalt  }
0x45: {  	_ =	shalt  }
0x46: {  	_ =	shalt  }
0x47: {  	_ =	shalt  }
0x48: {  	_ =	shalt  }
0x49: {  	_ =	shalt  }
0x4a: {  	_ =	shalt  }
0x4b: {  	_ =	shalt  }
0x4c: {  	_ =	shalt  }
0x4d: {  	_ =	shalt  }
0x4e: {  	_ =	shalt  }
0x4f: {  	_ =	shalt  }
0x50: {  	_ =	shalt  }
0x51: {  	_ =	shalt  }
0x52: {  	_ =	shalt  }
0x53: {  	_ =	shalt  }
0x54: {  	_ =	shalt  }
0x55: {  	_ =	shalt  }
0x56: {  	_ =	shalt  }
0x57: {  	_ =	shalt  }
0x58: {  	_ =	shalt  }
0x59: {  	_ =	shalt  }
0x5a: {  	_ =	shalt  }
0x5b: {  	_ =	shalt  }
0x5c: {  	_ =	shalt  }
0x5d: {  	_ =	shalt  }
0x5e: {  	_ =	shalt  }
0x5f: {  	_ =	shalt  }
0x60: {  	_ =	shalt  }
0x61: {  	_ =	shalt  }
0x62: {  	_ =	shalt  }
0x63: {  	_ =	shalt  }
0x64: {  	_ =	shalt  }
0x65: {  	_ =	shalt  }
0x66: {  	_ =	shalt  }
0x67: {  	_ =	shalt  }
0x68: {  	_ =	shalt  }
0x69: {  	_ =	shalt  }
0x6a: {  	_ =	shalt  }
0x6b: {  	_ =	shalt  }
0x6c: {  	_ =	shalt  }
0x6d: {  	_ =	shalt  }
0x6e: {  	_ =	shalt  }
0x6f: {  	_ =	shalt  }
0x70: {  	_ =	shalt  }
0x71: {  	_ =	shalt  }
0x72: {  	_ =	shalt  }
0x73: {  	_ =	shalt  }
0x74: {  	_ =	shalt  }
0x75: {  	_ =	shalt  }
0x76: {  	_ =	shalt  }
0x77: {  	_ =	shalt  }
0x78: {  	_ =	shalt  }
0x79: {  	_ =	shalt  }
0x7a: {  	_ =	shalt  }
0x7b: {  	_ =	shalt  }
0x7c: {  	_ =	shalt  }
0x7d: {  	_ =	shalt  }
0x7e: {  	_ =	shalt  }
0x7f: {  	_ =	shalt  }
0x80: {  	_ =	shalt  }
0x81: {  	_ =	shalt  }
0x82: {  	_ =	shalt  }
0x83: {  	_ =	shalt  }
0x84: {  	_ =	shalt  }
0x85: {  	_ =	shalt  }
0x86: {  	_ =	shalt  }
0x87: {  	_ =	shalt  }
.Lfunc_end0:
.L_simem_size_0:
called_computation_lowered:
.L_overlay_start_0:
0x88: {  	s2 =	sld [smem:$0x3FD9]  }
0x89: {  	s3 =	sld [smem:$0x3FFE];
	_ =	sdelay $0x1  }
0x8a: {  	s1 =	srdreg.scid  }
0x8b: {  	s0 =	sand.u32 $0x1, s1  }
0x8c: {  	s17 =	sshll.u32 s0, $0xA;
	s2 =	sadd.s32 s3, s2  }
0x8d: {  	s2 =	sadd.s32 s2, s17  }
0x8e: {  	[smem:$0x3FC5] =	sst s2  }
0x8f: {  	_ = 	snop  }
0x90: {  	s2 =	sld [smem:$0x3FD0];
	(tm) =	ssettm $0x1  }
0x91: {  	s18 =	sld [smem:$0x3FFB];
	_ =	sdelay $0x3  }
0x92: {  	_ =	strace s18  }
0x93: {  	s3 =	sld [smem:$0x3FFC];
	_ =	sdelay $0x3  }
0x94: {  	_ =	strace s3  }
0x95: {  	s3 =	sld [smem:$0x3FFD];
	_ =	sdelay $0x3  }
0x96: {  	_ =	strace s3  }
0x97: {  	_ =	strace $0x8FFFFFFF  }
0x98: {  	s19 =	sld [smem:$0x3FDB];
	_ =	sdelay $0x1  }
0x99: {  	s4 =	simm.s32 $_scs_section_size  }
0x9a: {  	s5 =	simm.s32 $_size__tile_overlayer_lowered;
	s6 =	simm.s32 $_tile_overlayer_lowered  }
0x9b: {  	s22 =	simm.s32 $0x1BFF;
	s21 =	sshll.u32 s6, $0x1;
	s3 =	sadd.s32 s4, s19  }
0x9c: {  	s7 =	simm.s32 $0x0;
	s20 =	sshll.u32 s5, $0x1;
	s5 =	sadd.s32 s21, s3  }
0x9d: {  	[timem:s7], [sflag:s22] =	dma.local [hbm:s5], s20  }
0x9e: {  	_ =	swait.ge [sflag:s22], s20  }
0x9f: {  	s4 =	ssub.s32 $0x0, s20;
	[sflag:s22] =	ssyncset.done $0x0  }
0xa0: {  	[sflag:s22] =	ssyncadd.s32 s4;
	_ =	sdelay $0x1  }
0xa1: {  	s23 =	simm.s32 $0x1B8B  }
0xa2: {  	_ =	swait.ge [sflag:s23], $0x1  }
0xa3: {  	[sflag:s23] =	ssyncset.done $0x0  }
0xa4: {  	s25 =	simm.s32 $0x1B8E;
	s24 =	sld [smem:$0x3FFE];
	[sflag:s23] =	ssyncadd.s32 $0xFFFFFFFF  }
0xa5: {  	s26 =	simm.s32 $execute0_lowered;
	[smem:$0x3FD2] =	sst s25  }
0xa6: {  	s5 =	sshll.u32 s26, $0x1;
	_ =	strace $0x80000046;
	[dreg:$0x1] =	wrdreg $0xFFFFFFFF  }
0xa7: {  	s28 =	simm.s32 $_size_execute0_lowered;
	s3 =	sadd.s32 s3, s5;
	[dreg:$0x0] =	wrdreg $0x0  }
0xa8: {  	s5 =	sshll.u32 s28, $0x1;
	[dreg:$0x2] =	wrdreg s3  }
0xa9: {  	[dreg:$0x3] =	wrdreg s5  }
0xaa: {  	[dreg:$0x4] =	wrdreg $0xC0  }
0xab: {  	_ =	task [dreg:s7], $0x5FFFF  }
0xac: {  	[dreg:$0x1] =	wrdreg $0xFFFFFFFF  }
0xad: {  	[dreg:$0x0] =	wrdreg $0x60  }
0xae: {  	[dreg:$0x2] =	wrdreg s2  }
0xaf: {  	[dreg:$0x3] =	wrdreg s24  }
0xb0: {  	[dreg:$0x4] =	wrdreg $0xA8000  }
0xb1: {  	[dreg:$0x5] =	wrdreg $0x9  }
0xb2: {  	_ =	task.clear_ibuf [dreg:s7], $0x6FFFF;
	_ =	strace $0x90000046  }
0xb3: {  	s29 =	simm.s32 $0x9;
	_ =	strace $0x80000048  }
0xb4: {  	_ =	swait.ge [sflag:s29], $0x1  }
0xb5: {  	[sflag:s29] =	ssyncadd.s32 $0xFFFFFFFF  }
0xb6: {  	_ =	strace $0x90000048  }
0xb7: {  	_ =	sfence  }
0xb8: {  	s30 =	sld [smem:$0x0];
	_ =	sdelay $0x2  }
0xb9: {  	s31 =	sshll.u32 s1, $0xD;
	s1 =	sshrl.u32 s1, $0x2  }
0xba: {  	s3 =	sand.u32 $0x4000, s31;
	s1 =	sadd.s32 s1, s30  }
0xbb: {  	s0 =	sor.u32 s3, s0;
	s1 =	sshll.u32 s1, $0x11  }
0xbc: {  	s0 =	sor.u32 s1, s0  }
0xbd: {  	s0 =	sadd.s32 $0x8F2B, s0  }
0xbe: {  	[sflag:s0] =	ssyncadd.remote.s32 $0x1  }
0xbf: {  	_ =	sfence.sel $0xFFFF  }
0xc0: {  	[dreg:$0x0] =	wrdreg $0xFFFFFFFF;
	(pc) =	sbr.abs _section_cstart, $3  }
0xc1: {  	[dreg:$0x1] =	wrdreg $0xFFFFFFFF  }
0xc2: {  	_ =	task.clear_ibuf [dreg:s7], $0x2FFFF;
	_ =	strace $0x9FFFFFFF  }
0xc3: {  	(tm) =	ssettm $0x7FFFFFFF  }
tec
execute0_lowered:
.L_overlay_start_1:
0x0: {  	(tag) =	ssettag $0x1  }
0x1: {  	s1 =	rddreg [dreg:$0x0]  }
0x2: {  	s0 =	rddreg [dreg:$0x1]  }
0x3: {  	s2 =	rddreg [dreg:$0x2]  }
0x4: {  	s4 =	simm.s32 $0x0;
	s11 =	stileid.u32;
	s3 =	srdreg.scid  }
0x5: {  	s31 =	simm.s32 $0x400;
	s28 =	simm.s32 $0x3;
	s29 =	simm.s32 $0x5  }
0x6: {  	s30 =	simm.s32 $0xD;
	[smem:$0x7FF] =	sst s4;
	s5 =	sadd.s32 $0x8E00, s0  }
0x7: {  	s6 =	sshll.u32 s11, $0xB;
	s3 =	sand.u32 $0x1, s3;
	s13 =	smul.u32 $0x50000, s11  }
0x8: {  	s9 =	sshll.u32 s11, $0xE;
	s16 =	smul.u32 $0x14000, s11;
	_ =	strace $0x80000047  }
0x9: {  	s7 =	ssub.s32 $0x2, s3;
	s8 =	sshll.u32 s3, $0x12;
	s6 =	sadd.s32 s6, s0  }
0xa: {  	s0 =	sadd.s32 $0x18E00, s0;
	s3 =	smul.u32 $0x140000, s3;
	s10 =	sshrl.u32 s7, $0x1  }
0xb: {  	s8 =	sor.u32 s9, s8;
	s15 =	sadd.s32 $0xE10, s6;
	s18 =	sadd.s32 $0x4000, s16  }
0xc: {  	s21 =	sadd.s32 $0x8000, s16;
	s24 =	sadd.s32 $0xC000, s16;
	s7 =	ssub.s32 s7, s10  }
0xd: {  	s9 =	sshrl.u32 s8, $0x3;
	s10 =	sadd.s32 $0xE00, s6;
	[dreg:$0x7] =	wrdreg s15  }
0xe: {  	s6 =	sadd.s32 $0xE20, s6;
	s19 =	sadd.s32 s16, s3;
	s20 =	sadd.s32 s3, s18  }
0xf: {  	s23 =	sadd.s32 s3, s21;
	s25 =	sadd.s32 s3, s24;
	s8 =	sor.u32 $0x400, s8  }
0x10: {  	s15 =	sadd.s32 s18, s2;
	s12 =	sadd.s32 s9, s5;
	[dreg:$0x5] =	wrdreg s10  }
0x11: {  	s9 =	sshrl.u32 s13, $0x2;
	[dreg:$0x9] =	wrdreg s6;
	s11 =	sshrl.u32 s20, $0x3  }
0x12: {  	s10 =	sadd.s32 $0x10000, s16;
	s7 =	smax.u32 s7, $0x1;
	[dreg:$0x4] =	wrdreg s12  }
0x13: {  	s16 =	sadd.s32 s21, s2;
	s14 =	sadd.s32 $0x10, s12;
	[dreg:$0x14] =	wrdreg s7  }
0x14: {  	s6 =	simm.s32 $0x6;
	s17 =	sadd.s32 $0x20, s12;
	[dreg:$0x6] =	wrdreg s14  }
0x15: {  	s26 =	sadd.s32 s9, s2;
	s22 =	sadd.s32 s0, s11;
	[dreg:$0x8] =	wrdreg s17  }
0x16: {  	s3 =	sadd.s32 s3, s10;
	s18 =	sadd.s32 s10, s2;
	[dreg:$0xd] =	wrdreg s22  }
0x17: {  	s7 =	simm.s32 $0xF;
	s9 =	sadd.s32 $0x2800, s26;
	[dreg:$0xa] =	wrdreg s26  }
0x18: {  	s12 =	simm.s32 $0x800;
	s13 =	sadd.s32 $0x5000, s26;
	[dreg:$0xb] =	wrdreg s9  }
0x19: {  	s3 =	sshrl.u32 s3, $0x3;
	s14 =	sadd.s32 $0x7800, s26;
	[dreg:$0x11] =	wrdreg s13  }
0x1a: {  	s17 =	sadd.s32 s24, s2;
	s21 =	sshrl.u32 s18, $0x3;
	[dreg:$0x13] =	wrdreg s14  }
0x1b: {  	s22 =	sadd.s32 $0xA000, s26;
	s24 =	sadd.s32 $0xF000, s26;
	[dreg:$0x18] =	wrdreg s21  }
0x1c: {  	s18 =	simm.s32 $0x800;
	s9 =	sshrl.u32 s19, $0x3;
	[dreg:$0x19] =	wrdreg s22  }
0x1d: {  	s19 =	sshrl.u32 s16, $0x3;
	s20 =	sshrl.u32 s17, $0x3;
	[dreg:$0x1b] =	wrdreg s24  }
0x1e: {  	s13 =	simm.s32 $0x50;
	s16 =	simm.s32 $0x1;
	s17 =	simm.s32 $0xB  }
0x1f: {  	s21 =	simm.s32 $0x5800;
	s22 =	simm.s32 $0x2;
	[dreg:$0x16] =	wrdreg s19  }
0x20: {  	s9 =	sadd.s32 s0, s9;
	[dreg:$0x17] =	wrdreg s20;
	s20 =	simm.s32 $0x11  }
0x21: {  	[dreg:$0xc] =	wrdreg s9;
	s9 =	sshrl.u32 s23, $0x3;
	s23 =	sadd.s32 $0xC800, s26  }
0x22: {  	s19 =	simm.s32 $0xE;
	s9 =	sadd.s32 s0, s9;
	[dreg:$0x1a] =	wrdreg s23  }
0x23: {  	s23 =	simm.s32 $0xC;
	[dreg:$0xe] =	wrdreg s9;
	s9 =	sshrl.u32 s25, $0x3  }
0x24: {  	s25 =	sadd.s32 $0x11800, s26;
	s9 =	sadd.s32 s0, s9;
	s0 =	sadd.s32 s0, s3  }
.Ltmp0:
0x25: {  	[dreg:$0x1c] =	wrdreg s25;
	s3 =	simm.s32 $0x500;
	(pc) =	sbr.rel .LBB2_1-.Ltmp0, $4  }
0x26: {  	s25 =	simm.s32 $0x10;
	[dreg:$0xf] =	wrdreg s9;
	s9 =	sshrl.u32 s8, $0x3  }
0x27: {  	[dreg:$0x10] =	wrdreg s0;
	s8 =	simm.s32 $0x0;
	s0 =	sadd.s32 s9, s5  }
0x28: {  	s5 =	simm.s32 $0x4;
	[dreg:$0x12] =	wrdreg s0;
	s0 =	sshrl.u32 s15, $0x3  }
0x29: {  	v0 =	vimm.f32 $0.0e+00;
	s15 =	simm.s32 $0x3000;
	[dreg:$0x15] =	wrdreg s0;
	s0 =	simm.s32 $0x480  }
.LBB2_6:
0x2a: {  	_ =	swait.ge [sflag:s28], $0x2800  }
0x2b: {  	[sflag:s28] =	ssyncset.done $0x0  }
0x2c: {  	[sflag:s28] =	ssyncadd.s32 $0xFFFFD800  }
0x2d: {  	[spmem:s2] =	stream.indirect.scatter.add.f32 [tilespmem:s21], [sflag:$0x7], $0x80, s3, s13, $0xb8;
	[tilespmem:$0x1E800] =	vst v63  }
0x2e: {  	_ =	swait.ge [sflag:s29], $0x2800  }
0x2f: {  	[sflag:s29] =	ssyncset.done $0x0  }
0x30: {  	[sflag:s29] =	ssyncadd.s32 $0xFFFFD800  }
0x31: {  	_ =	swait.ge [sflag:s5], $0x2800  }
0x32: {  	[sflag:s5] =	ssyncset.done $0x0  }
0x33: {  	[sflag:s5] =	ssyncadd.s32 $0xFFFFD800  }
0x34: {  	[spmem:s2] =	stream.indirect.scatter.add.f32 [tilespmem:s9], [sflag:$0x8], $0x80, s14, s13, $0xb8;
	[tilespmem:$0x1E800] =	vst v63  }
0x35: {  	_ =	swait.ge [sflag:s6], $0x2800  }
0x36: {  	[sflag:s6] =	ssyncset.done $0x0  }
0x37: {  	s0 =	simm.s32 $0x7;
	[sflag:s6] =	ssyncadd.s32 $0xFFFFD800  }
0x38: {  	_ =	swait.ge [sflag:s0], $0x2800  }
0x39: {  	[sflag:s0] =	ssyncset.done $0x0  }
0x3a: {  	s3 =	simm.s32 $0x8;
	[sflag:s0] =	ssyncadd.s32 $0xFFFFD800  }
0x3b: {  	_ =	swait.ge [sflag:s3], $0x2800  }
0x3c: {  	[sflag:s3] =	ssyncset.done $0x0  }
0x3d: {  	[sflag:s3] =	ssyncadd.s32 $0xFFFFD800  }
0x3e: {  	s10 =	stileid.u32;
	[bflag:$0x0] =	sbarrier.arrive $0xFFFF  }
0x3f: {  	s20 =	simm.s32 $0x11;
	s10 =	sshll.u32 s10, $0x6;
	s26 =	rddreg [dreg:$0xa]  }
0x40: {  	s10 =	sor.u32 $0x1C11, s10;
	s31 =	rddreg [dreg:$0xc];
	s11 =	sshrl.u32 s26, $0x3  }
0x41: {  	[hbm:s31], [sflag:s10] =	dma.local [spmem:s11], $0x800  }
0x42: {  	_ =	swait.ge [sflag:s20], $0x800  }
0x43: {  	[sflag:s20] =	ssyncset.done $0x0;
	s8 =	rddreg [dreg:$0xd]  }
0x44: {  	s31 =	rddreg [dreg:$0x15];
	[sflag:s20] =	ssyncadd.s32 $0xFFFFF800  }
0x45: {  	[hbm:s8], [sflag:s10] =	dma.local [spmem:s31], $0x800  }
0x46: {  	_ =	swait.ge [sflag:s20], $0x800  }
0x47: {  	[sflag:s20] =	ssyncset.done $0x0;
	s9 =	rddreg [dreg:$0xe]  }
0x48: {  	s31 =	rddreg [dreg:$0x16];
	[sflag:s20] =	ssyncadd.s32 $0xFFFFF800  }
0x49: {  	[hbm:s9], [sflag:s10] =	dma.local [spmem:s31], $0x800  }
0x4a: {  	_ =	swait.ge [sflag:s20], $0x800  }
0x4b: {  	[sflag:s20] =	ssyncset.done $0x0;
	s14 =	rddreg [dreg:$0xf]  }
0x4c: {  	s31 =	rddreg [dreg:$0x17];
	[sflag:s20] =	ssyncadd.s32 $0xFFFFF800  }
0x4d: {  	[hbm:s14], [sflag:s10] =	dma.local [spmem:s31], $0x800  }
0x4e: {  	_ =	swait.ge [sflag:s20], $0x800  }
0x4f: {  	[sflag:s20] =	ssyncset.done $0x0;
	s18 =	rddreg [dreg:$0x10]  }
0x50: {  	s31 =	rddreg [dreg:$0x18];
	[sflag:s20] =	ssyncadd.s32 $0xFFFFF800  }
0x51: {  	[hbm:s18], [sflag:s10] =	dma.local [spmem:s31], $0x800  }
0x52: {  	_ =	swait.ge [sflag:s20], $0x800  }
0x53: {  	s8 =	rddreg [dreg:$0x1d]  }
0x54: {  	s24 =	rddreg [dreg:$0x14];
	s8 =	sadd.s32 $0x1, s8  }
0x55: {  	p0 =	sne.s32 s8, s24  }
.Ltmp1:
0x56: {  	_ = 	snop;
	(pc) =	sbr.rel @!p0 .LBB2_7-.Ltmp1, $3  }
0x57: {  	_ =	sdelay $0x1  }
0x58: {  	s0 =	simm.s32 $0x480;
	s3 =	simm.s32 $0x500;
	[sflag:s20] =	ssyncset.done $0x0  }
0x59: {  	s31 =	simm.s32 $0x400;
	s18 =	simm.s32 $0x800;
	[sflag:s20] =	ssyncadd.s32 $0xFFFFF800  }
.LBB2_1:
0x5a: {  	[dreg:$0x1d] =	wrdreg s8  }
0x5b: {  	s10 =	rddreg [dreg:$0x4]  }
0x5c: {  	[tilespmem:s4], [sflag:$0x9] =	stream.linear.gather [hbm4b:s10+s4], $0x80, $0x38;
	[tilespmem:$0x1E800] =	vst v63  }
0x5d: {  	s24 =	rddreg [dreg:$0x5]  }
0x5e: {  	[tilespmem:s31], [sflag:$0x9] =	stream.linear.gather [hbm4b:s24+s4], $0x80, $0x38;
	[tilespmem:$0x1E800] =	vst v63  }
0x5f: {  	s8 =	rddreg [dreg:$0x6];
	s9 =	simm.s32 $0x80  }
0x60: {  	[tilespmem:s9], [sflag:$0xA] =	stream.linear.gather [hbm4b:s8+s4], $0x80, $0x38;
	[tilespmem:$0x1E800] =	vst v63  }
0x61: {  	s11 =	rddreg [dreg:$0x7]  }
0x62: {  	[tilespmem:s0], [sflag:$0xA] =	stream.linear.gather [hbm4b:s11+s4], $0x80, $0x38;
	[tilespmem:$0x1E800] =	vst v63  }
0x63: {  	s14 =	rddreg [dreg:$0x8];
	s0 =	simm.s32 $0x100  }
0x64: {  	[tilespmem:s0], [sflag:$0xB] =	stream.linear.gather [hbm4b:s14+s4], $0x80, $0x38;
	[tilespmem:$0x1E800] =	vst v63  }
0x65: {  	s10 =	simm.s32 $0x0;
	s24 =	rddreg [dreg:$0x9];
	s11 =	simm.s32 $0x200  }
0x66: {  	[tilespmem:s3], [sflag:$0xB] =	stream.linear.gather [hbm4b:s24+s4], $0x80, $0x38;
	[tilespmem:$0x1E800] =	vst v63  }
.LBB2_2:
0x67: {  	p0 =	sne.s32 s11, $0x9E00;
	[tilespmem:s10+$0x870] =	vst v0  }
0x68: {  	[tilespmem:s10+$0x800] =	vst v0  }
0x69: {  	[tilespmem:s10+$0x810] =	vst v0  }
.Ltmp2:
0x6a: {  	[tilespmem:s10+$0x820] =	vst v0;
	(pc) =	sbr.rel @p0 .LBB2_2-.Ltmp2, $4  }
0x6b: {  	[tilespmem:s10+$0x830] =	vst v0  }
0x6c: {  	[tilespmem:s10+$0x840] =	vst v0  }
0x6d: {  	[tilespmem:s10+$0x850] =	vst v0  }
0x6e: {  	[tilespmem:s10+$0x860] =	vst v0;
	s10 =	sshra.s32 s11, $0x2;
	s11 =	sadd.s32 $0x200, s11  }
0x6f: {  	[tilespmem:s10+$0x870] =	vst v0  }
0x70: {  	[tilespmem:s10+$0x800] =	vst v0  }
0x71: {  	[tilespmem:s10+$0x810] =	vst v0  }
0x72: {  	[tilespmem:s10+$0x820] =	vst v0  }
0x73: {  	[tilespmem:s10+$0x830] =	vst v0  }
0x74: {  	[tilespmem:s10+$0x840] =	vst v0  }
0x75: {  	[tilespmem:s10+$0x850] =	vst v0  }
0x76: {  	[tilespmem:s10+$0x860] =	vst v0  }
0x77: {  	[spmem:s26] =	stream.linear.scatter [tilespmem:s18], [sflag:$0x11], $0x2800, $0x38;
	[tilespmem:$0x1E800] =	vst v63  }
0x78: {  	_ =	swait.ge [sflag:s20], $0x2800  }
0x79: {  	[sflag:s20] =	ssyncset.done $0x0  }
0x7a: {  	s24 =	rddreg [dreg:$0xb];
	[sflag:s20] =	ssyncadd.s32 $0xFFFFD800  }
0x7b: {  	[spmem:s24] =	stream.linear.scatter [tilespmem:s18], [sflag:$0x11], $0x2800, $0x38;
	[tilespmem:$0x1E800] =	vst v63  }
0x7c: {  	_ =	swait.ge [sflag:s20], $0x2800  }
0x7d: {  	[sflag:s20] =	ssyncset.done $0x0  }
0x7e: {  	s26 =	rddreg [dreg:$0x11];
	[sflag:s20] =	ssyncadd.s32 $0xFFFFD800  }
0x7f: {  	[spmem:s26] =	stream.linear.scatter [tilespmem:s18], [sflag:$0x11], $0x2800, $0x38;
	[tilespmem:$0x1E800] =	vst v63  }
0x80: {  	_ =	swait.ge [sflag:s20], $0x2800  }
0x81: {  	[sflag:s20] =	ssyncset.done $0x0  }
0x82: {  	s3 =	rddreg [dreg:$0x13];
	[sflag:s20] =	ssyncadd.s32 $0xFFFFD800  }
0x83: {  	[spmem:s3] =	stream.linear.scatter [tilespmem:s18], [sflag:$0x11], $0x2800, $0x38;
	[tilespmem:$0x1E800] =	vst v63  }
0x84: {  	_ =	swait.ge [sflag:s20], $0x2800  }
0x85: {  	[sflag:s20] =	ssyncset.done $0x0  }
0x86: {  	s8 =	rddreg [dreg:$0x19];
	[sflag:s20] =	ssyncadd.s32 $0xFFFFD800  }
0x87: {  	[spmem:s8] =	stream.linear.scatter [tilespmem:s18], [sflag:$0x11], $0x2800, $0x38;
	[tilespmem:$0x1E800] =	vst v63  }
0x88: {  	_ =	swait.ge [sflag:s20], $0x2800  }
0x89: {  	[sflag:s20] =	ssyncset.done $0x0  }
0x8a: {  	s9 =	rddreg [dreg:$0x1a];
	[sflag:s20] =	ssyncadd.s32 $0xFFFFD800  }
0x8b: {  	[spmem:s9] =	stream.linear.scatter [tilespmem:s18], [sflag:$0x11], $0x2800, $0x38;
	[tilespmem:$0x1E800] =	vst v63  }
0x8c: {  	_ =	swait.ge [sflag:s20], $0x2800  }
0x8d: {  	[sflag:s20] =	ssyncset.done $0x0  }
0x8e: {  	s11 =	rddreg [dreg:$0x1b];
	[sflag:s20] =	ssyncadd.s32 $0xFFFFD800  }
0x8f: {  	[spmem:s11] =	stream.linear.scatter [tilespmem:s18], [sflag:$0x11], $0x2800, $0x38;
	[tilespmem:$0x1E800] =	vst v63  }
0x90: {  	_ =	swait.ge [sflag:s20], $0x2800  }
0x91: {  	[sflag:s20] =	ssyncset.done $0x0  }
0x92: {  	s14 =	rddreg [dreg:$0x1c];
	[sflag:s20] =	ssyncadd.s32 $0xFFFFD800  }
0x93: {  	[spmem:s14] =	stream.linear.scatter [tilespmem:s18], [sflag:$0x11], $0x2800, $0x38;
	[tilespmem:$0x1E800] =	vst v63  }
0x94: {  	_ =	swait.ge [sflag:s20], $0x2800  }
0x95: {  	[sflag:s20] =	ssyncset.done $0x0  }
0x96: {  	s3 =	simm.s32 $0x9;
	[sflag:s20] =	ssyncadd.s32 $0xFFFFD800  }
0x97: {  	_ =	swait.ge [sflag:s3], $0x80  }
0x98: {  	[sflag:s3] =	ssyncset.done $0x0  }
0x99: {  	[sflag:s3] =	ssyncadd.s32 $0xFFFFFF80  }
0x9a: {  	_ =	swait.ge [sflag:s3], $0x80  }
0x9b: {  	[sflag:s3] =	ssyncset.done $0x0  }
0x9c: {  	s24 =	simm.s32 $0xA;
	s26 =	simm.s32 $0x0;
	[sflag:s3] =	ssyncadd.s32 $0xFFFFFF80  }
0x9d: {  	[tilespmem:s18], [sflag:$0x1] =	stream.indirect.gather [hbm4b:s1+s13], $0x80, s26, s13, $0xb8;
	[tilespmem:$0x1E800] =	vst v63  }
0x9e: {  	_ =	swait.ge [sflag:s24], $0x80  }
0x9f: {  	[sflag:s24] =	ssyncset.done $0x0  }
0xa0: {  	[sflag:s24] =	ssyncadd.s32 $0xFFFFFF80  }
0xa1: {  	_ =	swait.ge [sflag:s24], $0x80  }
0xa2: {  	[sflag:s24] =	ssyncset.done $0x0  }
0xa3: {  	s8 =	simm.s32 $0x80;
	s9 =	simm.s32 $0x8000;
	[sflag:s24] =	ssyncadd.s32 $0xFFFFFF80  }
0xa4: {  	[tilespmem:s15], [sflag:$0x2] =	stream.indirect.gather [hbm4b:s1+s13], $0x80, s8, s13, $0xb8;
	[tilespmem:$0x1E800] =	vst v63  }
0xa5: {  	s14 =	simm.s32 $0x780;
	s24 =	simm.s32 $0x700;
	[bflag:$0x0] =	sbarrier.arrive $0xFFFF  }
.LBB2_4:
0xa6: {  	_ =	swait.ge [sflag:s16], $0x2800  }
0xa7: {  	p0 =	seq.s32 s26, $0x0;
	[sflag:s16] =	ssyncset.done $0x0  }
0xa8: {  	s10 =	simm.s32 @!p0 $0x7;
	[sflag:s16] =	ssyncadd.s32 $0xFFFFD800  }
0xa9: {  	[spmem:s2] =	stream.indirect.scatter.add.f32 [tilespmem:s18], [sflag:$0x5], $0x80, s31, s13, $0xb8;
	[tilespmem:$0x1E800] =	vst v63  }
0xaa: {  	_ =	swait.ge @!p0 [sflag:s10], $0x2800  }
0xab: {  	[sflag:s10] =	ssyncset.done @!p0 $0x0  }
0xac: {  	[sflag:s10] =	ssyncadd.s32 @!p0 $0xFFFFD800  }
0xad: {  	_ =	swait.ge [sflag:s17], $0x80  }
0xae: {  	[sflag:s17] =	ssyncset.done $0x0  }
0xaf: {  	[sflag:s17] =	ssyncadd.s32 $0xFFFFFF80  }
0xb0: {  	_ =	swait.ge [sflag:s17], $0x80  }
0xb1: {  	[sflag:s17] =	ssyncset.done $0x0;
	s31 =	rddreg [dreg:$0x4]  }
0xb2: {  	[sflag:s17] =	ssyncadd.s32 $0xFFFFFF80;
	s10 =	sadd.s32 s26, s31  }
0xb3: {  	[tilespmem:s21], [sflag:$0x3] =	stream.indirect.gather [hbm4b:s1+s13], $0x80, s0, s13, $0xb8;
	[tilespmem:$0x1E800] =	vst v63  }
0xb4: {  	s11 =	sadd.s32 $0x30, s10;
	s21 =	simm.s32 $0x180;
	s0 =	rddreg [dreg:$0x5]  }
0xb5: {  	[tilespmem:s21], [sflag:$0xC] =	stream.linear.gather [hbm4b:s11+s4], $0x80, $0x38;
	[tilespmem:$0x1E800] =	vst v63  }
0xb6: {  	s11 =	sadd.s32 s26, s0  }
0xb7: {  	s20 =	simm.s32 $0x580;
	s3 =	sadd.s32 $0x30, s11  }
0xb8: {  	[tilespmem:s20], [sflag:$0xC] =	stream.linear.gather [hbm4b:s3+s4], $0x80, $0x38;
	[tilespmem:$0x1E800] =	vst v63  }
0xb9: {  	_ =	swait.ge [sflag:s22], $0x2800  }
0xba: {  	[sflag:s22] =	ssyncset.done $0x0  }
0xbb: {  	s31 =	simm.s32 @!p0 $0x8;
	s3 =	simm.s32 $0x480;
	[sflag:s22] =	ssyncadd.s32 $0xFFFFD800  }
0xbc: {  	[spmem:s2] =	stream.indirect.scatter.add.f32 [tilespmem:s15], [sflag:$0x6], $0x80, s3, s13, $0xb8;
	[tilespmem:$0x1E800] =	vst v63  }
0xbd: {  	_ =	swait.ge @!p0 [sflag:s31], $0x2800  }
0xbe: {  	[sflag:s31] =	ssyncset.done @!p0 $0x0  }
0xbf: {  	[sflag:s31] =	ssyncadd.s32 @!p0 $0xFFFFD800  }
0xc0: {  	_ =	swait.ge [sflag:s23], $0x80  }
0xc1: {  	[sflag:s23] =	ssyncset.done $0x0  }
0xc2: {  	[sflag:s23] =	ssyncadd.s32 $0xFFFFFF80  }
0xc3: {  	_ =	swait.ge [sflag:s23], $0x80  }
0xc4: {  	[sflag:s23] =	ssyncset.done $0x0  }
0xc5: {  	[sflag:s23] =	ssyncadd.s32 $0xFFFFFF80  }
0xc6: {  	[tilespmem:s9], [sflag:$0x4] =	stream.indirect.gather [hbm4b:s1+s13], $0x80, s21, s13, $0xb8;
	[tilespmem:$0x1E800] =	vst v63  }
0xc7: {  	s3 =	sadd.s32 $0x40, s10;
	s21 =	simm.s32 $0x200  }
0xc8: {  	[tilespmem:s21], [sflag:$0xD] =	stream.linear.gather [hbm4b:s3+s4], $0x80, $0x38;
	[tilespmem:$0x1E800] =	vst v63  }
0xc9: {  	s15 =	sadd.s32 $0x40, s11;
	s3 =	simm.s32 $0x600  }
0xca: {  	[tilespmem:s3], [sflag:$0xD] =	stream.linear.gather [hbm4b:s15+s4], $0x80, $0x38;
	[tilespmem:$0x1E800] =	vst v63  }
0xcb: {  	_ =	swait.ge [sflag:s28], $0x2800  }
0xcc: {  	[sflag:s28] =	ssyncset.done $0x0  }
0xcd: {  	s18 =	simm.s32 $0x5800;
	s31 =	simm.s32 $0x500;
	[sflag:s28] =	ssyncadd.s32 $0xFFFFD800  }
0xce: {  	[spmem:s2] =	stream.indirect.scatter.add.f32 [tilespmem:s18], [sflag:$0x7], $0x80, s31, s13, $0xb8;
	[tilespmem:$0x1E800] =	vst v63  }
0xcf: {  	_ =	swait.ge [sflag:s29], $0x2800  }
0xd0: {  	[sflag:s29] =	ssyncset.done $0x0  }
0xd1: {  	[sflag:s29] =	ssyncadd.s32 $0xFFFFD800  }
0xd2: {  	_ =	swait.ge [sflag:s30], $0x80  }
0xd3: {  	[sflag:s30] =	ssyncset.done $0x0  }
0xd4: {  	[sflag:s30] =	ssyncadd.s32 $0xFFFFFF80  }
0xd5: {  	_ =	swait.ge [sflag:s30], $0x80  }
0xd6: {  	[sflag:s30] =	ssyncset.done $0x0  }
0xd7: {  	[sflag:s30] =	ssyncadd.s32 $0xFFFFFF80  }
0xd8: {  	[tilespmem:s12], [sflag:$0x1] =	stream.indirect.gather [hbm4b:s1+s13], $0x80, s21, s13, $0xb8;
	[tilespmem:$0x1E800] =	vst v63  }
0xd9: {  	s18 =	sadd.s32 $0x50, s10;
	s21 =	simm.s32 $0x280  }
0xda: {  	[tilespmem:s21], [sflag:$0xE] =	stream.linear.gather [hbm4b:s18+s4], $0x80, $0x38;
	[tilespmem:$0x1E800] =	vst v63  }
0xdb: {  	s15 =	simm.s32 $0x680;
	s31 =	sadd.s32 $0x50, s11  }
0xdc: {  	[tilespmem:s15], [sflag:$0xE] =	stream.linear.gather [hbm4b:s31+s4], $0x80, $0x38;
	[tilespmem:$0x1E800] =	vst v63  }
0xdd: {  	_ =	swait.ge [sflag:s5], $0x2800  }
0xde: {  	[sflag:s5] =	ssyncset.done $0x0  }
0xdf: {  	[sflag:s5] =	ssyncadd.s32 $0xFFFFD800  }
0xe0: {  	[spmem:s2] =	stream.indirect.scatter.add.f32 [tilespmem:s9], [sflag:$0x8], $0x80, s20, s13, $0xb8;
	[tilespmem:$0x1E800] =	vst v63  }
0xe1: {  	_ =	swait.ge [sflag:s6], $0x2800  }
0xe2: {  	[sflag:s6] =	ssyncset.done $0x0  }
0xe3: {  	[sflag:s6] =	ssyncadd.s32 $0xFFFFD800  }
0xe4: {  	_ =	swait.ge [sflag:s19], $0x80  }
0xe5: {  	[sflag:s19] =	ssyncset.done $0x0  }
0xe6: {  	[sflag:s19] =	ssyncadd.s32 $0xFFFFFF80  }
0xe7: {  	_ =	swait.ge [sflag:s19], $0x80  }
0xe8: {  	[sflag:s19] =	ssyncset.done $0x0  }
0xe9: {  	s18 =	simm.s32 $0x3000;
	[sflag:s19] =	ssyncadd.s32 $0xFFFFFF80  }
0xea: {  	[tilespmem:s18], [sflag:$0x2] =	stream.indirect.gather [hbm4b:s1+s13], $0x80, s21, s13, $0xb8;
	[tilespmem:$0x1E800] =	vst v63  }
0xeb: {  	s31 =	sadd.s32 $0x60, s10;
	s20 =	simm.s32 $0x300  }
0xec: {  	[tilespmem:s20], [sflag:$0xF] =	stream.linear.gather [hbm4b:s31+s4], $0x80, $0x38;
	[tilespmem:$0x1E800] =	vst v63  }
0xed: {  	s31 =	sadd.s32 $0x60, s11  }
0xee: {  	[tilespmem:s24], [sflag:$0xF] =	stream.linear.gather [hbm4b:s31+s4], $0x80, $0x38;
	[tilespmem:$0x1E800] =	vst v63  }
0xef: {  	_ =	swait.ge [sflag:s16], $0x2800  }
0xf0: {  	[sflag:s16] =	ssyncset.done $0x0  }
0xf1: {  	s31 =	simm.s32 $0x7;
	[sflag:s16] =	ssyncadd.s32 $0xFFFFD800  }
0xf2: {  	[spmem:s2] =	stream.indirect.scatter.add.f32 [tilespmem:s12], [sflag:$0x5], $0x80, s3, s13, $0xb8;
	[tilespmem:$0x1E800] =	vst v63  }
0xf3: {  	_ =	swait.ge [sflag:s31], $0x2800  }
0xf4: {  	[sflag:s31] =	ssyncset.done $0x0  }
0xf5: {  	[sflag:s31] =	ssyncadd.s32 $0xFFFFD800  }
0xf6: {  	_ =	swait.ge [sflag:s7], $0x80  }
0xf7: {  	[sflag:s7] =	ssyncset.done $0x0  }
0xf8: {  	[sflag:s7] =	ssyncadd.s32 $0xFFFFFF80  }
0xf9: {  	_ =	swait.ge [sflag:s7], $0x80  }
0xfa: {  	[sflag:s7] =	ssyncset.done $0x0  }
0xfb: {  	s21 =	simm.s32 $0x5800;
	[sflag:s7] =	ssyncadd.s32 $0xFFFFFF80  }
0xfc: {  	[tilespmem:s21], [sflag:$0x3] =	stream.indirect.gather [hbm4b:s1+s13], $0x80, s20, s13, $0xb8;
	[tilespmem:$0x1E800] =	vst v63  }
0xfd: {  	s10 =	sadd.s32 $0x70, s10;
	s20 =	simm.s32 $0x380  }
0xfe: {  	[tilespmem:s20], [sflag:$0x10] =	stream.linear.gather [hbm4b:s10+s4], $0x80, $0x38;
	[tilespmem:$0x1E800] =	vst v63  }
0xff: {  	s24 =	sadd.s32 $0x70, s11  }
0x100: {  	[tilespmem:s14], [sflag:$0x10] =	stream.linear.gather [hbm4b:s24+s4], $0x80, $0x38;
	[tilespmem:$0x1E800] =	vst v63  }
0x101: {  	_ =	swait.ge [sflag:s22], $0x2800  }
0x102: {  	[sflag:s22] =	ssyncset.done $0x0  }
0x103: {  	s31 =	simm.s32 $0x8;
	[sflag:s22] =	ssyncadd.s32 $0xFFFFD800  }
0x104: {  	[spmem:s2] =	stream.indirect.scatter.add.f32 [tilespmem:s18], [sflag:$0x6], $0x80, s15, s13, $0xb8;
	[tilespmem:$0x1E800] =	vst v63  }
0x105: {  	_ =	swait.ge [sflag:s31], $0x2800  }
0x106: {  	[sflag:s31] =	ssyncset.done $0x0  }
0x107: {  	[sflag:s31] =	ssyncadd.s32 $0xFFFFD800  }
0x108: {  	_ =	swait.ge [sflag:s25], $0x80  }
0x109: {  	[sflag:s25] =	ssyncset.done $0x0  }
0x10a: {  	p0 =	seq.s32 s26, $0x780;
	[sflag:s25] =	ssyncadd.s32 $0xFFFFFF80  }
.Ltmp3:
0x10b: {  	_ =	swait.ge [sflag:s25], $0x80;
	(pc) =	sbr.rel @p0 .LBB2_6-.Ltmp3, $4  }
0x10c: {  	s8 =	simm.s32 $0x100;
	[sflag:s25] =	ssyncset.done $0x0  }
0x10d: {  	s0 =	simm.s32 $0x400;
	s3 =	simm.s32 $0x700;
	[sflag:s25] =	ssyncadd.s32 $0xFFFFFF80  }
0x10e: {  	[tilespmem:s9], [sflag:$0x4] =	stream.indirect.gather [hbm4b:s1+s13], $0x80, s20, s13, $0xb8;
	[tilespmem:$0x1E800] =	vst v63  }
0x10f: {  	s14 =	simm.s32 $0x780;
	s15 =	simm.s32 $0x3000;
	s9 =	simm.s32 $0x8000  }
0x110: {  	s10 =	rddreg [dreg:$0x12]  }
0x111: {  	s10 =	sadd.s32 s26, s10  }
0x112: {  	[tilespmem:s4], [sflag:$0x9] =	stream.linear.gather [hbm4b:s10+s4], $0x80, $0x38;
	[tilespmem:$0x1E800] =	vst v63  }
0x113: {  	s31 =	sadd.s32 $0x80, s11  }
0x114: {  	[tilespmem:s0], [sflag:$0x9] =	stream.linear.gather [hbm4b:s31+s4], $0x80, $0x38;
	[tilespmem:$0x1E800] =	vst v63  }
0x115: {  	_ =	swait.ge [sflag:s28], $0x2800  }
0x116: {  	[sflag:s28] =	ssyncset.done $0x0  }
0x117: {  	s24 =	simm.s32 $0x700;
	[sflag:s28] =	ssyncadd.s32 $0xFFFFD800  }
0x118: {  	[spmem:s2] =	stream.indirect.scatter.add.f32 [tilespmem:s21], [sflag:$0x7], $0x80, s24, s13, $0xb8;
	[tilespmem:$0x1E800] =	vst v63  }
0x119: {  	_ =	swait.ge [sflag:s29], $0x2800  }
0x11a: {  	[sflag:s29] =	ssyncset.done $0x0  }
0x11b: {  	s18 =	simm.s32 $0x9;
	[sflag:s29] =	ssyncadd.s32 $0xFFFFD800  }
0x11c: {  	_ =	swait.ge [sflag:s18], $0x80  }
0x11d: {  	[sflag:s18] =	ssyncset.done $0x0  }
0x11e: {  	[sflag:s18] =	ssyncadd.s32 $0xFFFFFF80  }
0x11f: {  	_ =	swait.ge [sflag:s18], $0x80  }
0x120: {  	[sflag:s18] =	ssyncset.done $0x0  }
0x121: {  	[sflag:s18] =	ssyncadd.s32 $0xFFFFFF80  }
0x122: {  	[tilespmem:s12], [sflag:$0x1] =	stream.indirect.gather [hbm4b:s1+s13], $0x80, s4, s13, $0xb8;
	[tilespmem:$0x1E800] =	vst v63  }
0x123: {  	s20 =	simm.s32 $0x80;
	s31 =	sadd.s32 $0x10, s10  }
0x124: {  	[tilespmem:s20], [sflag:$0xA] =	stream.linear.gather [hbm4b:s31+s4], $0x80, $0x38;
	[tilespmem:$0x1E800] =	vst v63  }
0x125: {  	s3 =	simm.s32 $0x480;
	s31 =	sadd.s32 $0x90, s11  }
0x126: {  	[tilespmem:s3], [sflag:$0xA] =	stream.linear.gather [hbm4b:s31+s4], $0x80, $0x38;
	[tilespmem:$0x1E800] =	vst v63  }
0x127: {  	_ =	swait.ge [sflag:s5], $0x2800  }
0x128: {  	[sflag:s5] =	ssyncset.done $0x0  }
0x129: {  	[sflag:s5] =	ssyncadd.s32 $0xFFFFD800  }
0x12a: {  	[spmem:s2] =	stream.indirect.scatter.add.f32 [tilespmem:s9], [sflag:$0x8], $0x80, s14, s13, $0xb8;
	[tilespmem:$0x1E800] =	vst v63  }
0x12b: {  	_ =	swait.ge [sflag:s6], $0x2800  }
0x12c: {  	[sflag:s6] =	ssyncset.done $0x0  }
0x12d: {  	s14 =	simm.s32 $0xA;
	[sflag:s6] =	ssyncadd.s32 $0xFFFFD800  }
0x12e: {  	_ =	swait.ge [sflag:s14], $0x80  }
0x12f: {  	[sflag:s14] =	ssyncset.done $0x0  }
0x130: {  	[sflag:s14] =	ssyncadd.s32 $0xFFFFFF80  }
0x131: {  	_ =	swait.ge [sflag:s14], $0x80  }
0x132: {  	[sflag:s14] =	ssyncset.done $0x0  }
0x133: {  	s26 =	sadd.s32 $0x80, s26;
	[sflag:s14] =	ssyncadd.s32 $0xFFFFFF80  }
0x134: {  	[tilespmem:s15], [sflag:$0x2] =	stream.indirect.gather [hbm4b:s1+s13], $0x80, s20, s13, $0xb8;
	[tilespmem:$0x1E800] =	vst v63  }
.Ltmp4:
0x135: {  	s10 =	sadd.s32 $0x20, s10;
	s0 =	simm.s32 $0x100;
	(pc) =	sbr.rel .LBB2_4-.Ltmp4, $4  }
0x136: {  	[tilespmem:s8], [sflag:$0xB] =	stream.linear.gather [hbm4b:s10+s4], $0x80, $0x38;
	[tilespmem:$0x1E800] =	vst v63  }
0x137: {  	s18 =	sadd.s32 $0xA0, s11;
	s31 =	simm.s32 $0x400;
	s20 =	simm.s32 $0x500  }
0x138: {  	[tilespmem:s20], [sflag:$0xB] =	stream.linear.gather [hbm4b:s18+s4], $0x80, $0x38;
	[tilespmem:$0x1E800] =	vst v63  }
0x139: {  	s9 =	simm.s32 $0x8000;
	s14 =	simm.s32 $0x780;
	s18 =	simm.s32 $0x800  }
.LBB2_7:
0x13a: {  	_ =	sfence.sel $0x180000  }
0x13b: {  	[bflag:$0x0] =	sbarrier.arrive $0xFFFF  }
0x13c: {  	_ =	strace $0x90000047  }
0x13d: {  	s0 =	stileid.u32;
	[bflag:$0x2] =	sbarrier.arrive $0xFFFF  }
0x13e: {  	p0 =	sne.s32 s0, $0x0;
	s0 =	rddreg [dreg:$0x3]  }
0x13f: {  	s0 =	sadd.s32 @!p0 $0x100000, s0  }
0x140: {  	[sflag:s0] =	ssyncadd.tile.s32 @!p0 $0x1;
	_ =	shalt  }
.Lfunc_end2:
_tile_overlayer_lowered:
.L_overlay_start_2:
0x141: {  	(tag) =	ssettag $0x2  }
0x142: {  	s0 =	rddreg [dreg:$0x0];
	s2 =	stileid.u32  }
0x143: {  	s1 =	rddreg [dreg:$0x1];
	p0 =	sne.s32 s2, $0x0  }
0x144: {  	s3 =	rddreg [dreg:$0x2];
	[bflag:$0x3] =	sbarrier.arrive $0xFFFF;
	s2 =	simm.s32 @!p0 $0x1C11  }
0x145: {  	[timem:s3], [sflag:s2] =	dma.local @!p0 [hbm:s0], s1  }
0x146: {  	s0 =	simm.s32 @!p0 $0x11  }
0x147: {  	_ =	swait.ge @!p0 [sflag:s0], s1  }
0x148: {  	s1 =	ssub.s32 @!p0 $0x0, s1;
	[sflag:s0] =	ssyncset.done @!p0 $0x0  }
0x149: {  	[sflag:s0] =	ssyncadd.s32 @!p0 s1  }
0x14a: {  	[bflag:$0x3] =	sbarrier.arrive $0xFFFF  }
0x14b: {  	_ =	shalt  }

</sc_bundles>
